<compile_context>
chip_gen: v7x
topology: tpu7x:2x2x1
jax: 0.10.2.dev20260603
libtpu: 0.0.44.dev20260713+nightly
codegen_flags: <defaults>
</compile_context>

<pallas_src>
import functools

import jax
import jax.numpy as jnp
from jax import lax
from jax.experimental import pallas as pl
from jax.experimental.pallas import tpu as pltpu
from jax.experimental.pallas import tpu_sc as plsc

_VOCAB = 100000
_EMB = 32
_CTX = 20
_BATCH = 1024

_NW = 32
_ROWS_PER_W = _BATCH // _NW
_IDX_PER_W = _ROWS_PER_W * _CTX
_IDX_CHUNK = 128
_N_CHUNKS = _IDX_PER_W // _IDX_CHUNK


def _sc_pool_body(table_hbm, idx_hbm, pooled_hbm, idx_v, rows_v, pooled_v, sem):
    wid = lax.axis_index("s") * 2 + lax.axis_index("c")
    pltpu.sync_copy(idx_hbm.at[wid], idx_v)
    copies = []
    for j in range(_N_CHUNKS):
        copies.append(
            pltpu.async_copy(
                table_hbm.at[idx_v.at[j]],
                rows_v.at[pl.ds(j * _IDX_CHUNK, _IDX_CHUNK)],
                sem,
            )
        )
    for c in copies:
        c.wait()

    def body(i, carry):
        base = i * _CTX
        a0 = rows_v[base, pl.ds(0, 16)]
        a1 = rows_v[base, pl.ds(16, 16)]
        for c in range(1, _CTX):
            a0 = a0 + rows_v[base + c, pl.ds(0, 16)]
            a1 = a1 + rows_v[base + c, pl.ds(16, 16)]
        scale = jnp.float32(1.0 / _CTX)
        pooled_v[i, pl.ds(0, 16)] = a0 * scale
        pooled_v[i, pl.ds(16, 16)] = a1 * scale
        return carry

    lax.fori_loop(0, _ROWS_PER_W, body, 0)
    pltpu.sync_copy(pooled_v, pooled_hbm.at[pl.ds(wid * _ROWS_PER_W, _ROWS_PER_W)])


@functools.cache
def _sc_pool():
    return functools.partial(
        pl.kernel,
        out_type=jax.ShapeDtypeStruct((_BATCH, _EMB), jnp.float32),
        mesh=plsc.VectorSubcoreMesh(core_axis_name="c", subcore_axis_name="s"),
        scratch_types=[
            pltpu.VMEM((_N_CHUNKS, _IDX_CHUNK), jnp.int32),
            pltpu.VMEM((_IDX_PER_W, _EMB), jnp.float32),
            pltpu.VMEM((_ROWS_PER_W, _EMB), jnp.float32),
            pltpu.SemaphoreType.DMA,
        ],
        compiler_params=pltpu.CompilerParams(use_tc_tiling_on_sc=False),
    )(_sc_pool_body)


_BT = 16
_RING_R = 4
_NSTEPS = _BATCH // _BT


def _softmax_rows_body(pooled_ref, w_ref, b_ref, out_hbm, ring, sems):
    i = pl.program_id(0)
    slot = lax.rem(i, _RING_R)

    rows = pl.ds(i * _BT, _BT)
    l = jax.lax.dot_general(
        pooled_ref[rows, :],
        w_ref[...],
        (((1,), (0,)), ((), ())),
        preferred_element_type=jnp.float32,
    )
    e = jnp.exp(l + b_ref[...][None, :])
    s = jnp.sum(e, axis=1, keepdims=True)

    @pl.when(i >= _RING_R)
    def _drain_prev():
        pltpu.make_async_copy(
            ring.at[slot], out_hbm.at[pl.ds(0, _BT)], sems.at[slot]
        ).wait()

    ring[slot] = e * (1.0 / s)
    pltpu.make_async_copy(ring.at[slot], out_hbm.at[rows], sems.at[slot]).start()

    @pl.when(i == _NSTEPS - 1)
    def _final_drain():
        for ps in range(_NSTEPS - _RING_R, _NSTEPS):
            pltpu.make_async_copy(
                ring.at[ps % _RING_R],
                out_hbm.at[pl.ds(ps * _BT, _BT)],
                sems.at[ps % _RING_R],
            ).wait()


def _softmax_rows(pooled, W, b):
    return pl.pallas_call(
        _softmax_rows_body,
        grid=(_NSTEPS,),
        in_specs=[
            pl.BlockSpec((_BATCH, _EMB), lambda i: (0, 0)),
            pl.BlockSpec((_EMB, _VOCAB), lambda i: (0, 0)),
            pl.BlockSpec((_VOCAB,), lambda i: (0,)),
        ],
        out_specs=pl.BlockSpec(memory_space=pl.ANY),
        out_shape=jax.ShapeDtypeStruct((_BATCH, _VOCAB), jnp.float32),
        scratch_shapes=[
            pltpu.VMEM((_RING_R, _BT, _VOCAB), jnp.float32),
            pltpu.SemaphoreType.DMA((_RING_R,)),
        ],
        compiler_params=pltpu.CompilerParams(
            vmem_limit_bytes=120 * 1024 * 1024,
        ),
    )(pooled, W, b)


def kernel(inputs, emb_table, W, b):
    idx = inputs.astype(jnp.int32).reshape(_NW, _N_CHUNKS, _IDX_CHUNK)
    pooled = _sc_pool()(emb_table, idx)
    return _softmax_rows(pooled, W, b)

# --- scband reference (transcript-rebuilt; emitter-appended) ---
"""Pipeline reference for scband-word-model-80977313399416 (READ-ONLY COPY).

The authoritative reference and input builder live on the scoring server;
editing this copy changes nothing except your own understanding.
"""

import jax, jax.numpy as jnp
import numpy as np

VOCAB = 100000
EMB = 32
CTX = 20
BATCH = 1024

def setup_inputs(seed: int = 0) -> dict:
    key = jax.random.key(seed)
    k1, k2, k3 = jax.random.split(key, 3)
    inputs = jax.random.randint(k1, (BATCH, CTX), 0, VOCAB, dtype=jnp.int64)
    emb_table = jax.random.normal(k2, (VOCAB, EMB), dtype=jnp.float32) * 0.05
    W = jax.random.normal(k3, (EMB, VOCAB), dtype=jnp.float32) * 0.05
    b = jnp.zeros((VOCAB,), dtype=jnp.float32)
    return {"inputs": inputs, "emb_table": emb_table, "W": W, "b": b}

def reference(inputs, emb_table, W, b):
    # Embedding lookup: (B, CTX) -> (B, CTX, EMB)
    context_embedding = jnp.take(emb_table, inputs, axis=0)
    # GlobalAveragePooling1D over the context (sequence) axis
    averaged_embedding = jnp.mean(context_embedding, axis=1)
    # Dense(vocab_size, activation='softmax')
    logits = averaged_embedding @ W + b
    output = jax.nn.softmax(logits, axis=-1)
    return output

if __name__ == "__main__":
    import jax
    _d = setup_inputs()
    print(jax.jit(kernel)(*tuple(_d.values())))

</pallas_src>

<mosaic_0001>
#map = affine_map<(d0, d1) -> (0, 0)>
#map1 = affine_map<(d0, d1) -> (0, 0, 0)>
module attributes {stable_mosaic.version = 14 : i64} {
  func.func @_sc_pool_body(%arg0: i32, %arg1: i32, %arg2: memref<100000x32xf32, #tpu.memory_space<hbm>>, %arg3: memref<32x5x128xi32, #tpu.memory_space<hbm>>, %arg4: memref<1024x32xf32, #tpu.memory_space<hbm>>, %arg5: memref<5x128xi32, #tpu.memory_space<vmem>>, %arg6: memref<640x32xf32, #tpu.memory_space<vmem>>, %arg7: memref<32x32xf32, #tpu.memory_space<vmem>>, %arg8: memref<!tpu.dma_semaphore, #tpu.memory_space<semaphore_mem>>) attributes {dimension_semantics = [#tpu.dimension_semantics<core_parallel>, #tpu.dimension_semantics<subcore_parallel>], iteration_bounds = array<i64: 2, 16>, scalar_prefetch = 0 : i64, scratch_operands = 4 : i64, tpu.core_type = #tpu.core_type<sc_vector_subcore>, window_params = [{transform_indices = #map}, {transform_indices = #map1}, {transform_indices = #map}]} {
    %mul3A = arith.constant 2 : i32
    %mul3A_0 = arith.muli %arg1, %mul3A : i32
    %add3A = arith.addi %mul3A_0, %arg0 : i32
    "tpu.region"() ({
      %run_scoped3A = tpu.sem_alloc : memref<!tpu.dma_semaphore, #tpu.memory_space<semaphore_mem>>
      %dma_start3A_106 = arith.constant 0 : i32
      %dma_start3A_107 = arith.constant 0 : i32
      %dma_start3A_108 = tpu.memref_slice %arg3[%add3A, %dma_start3A_106, %dma_start3A_107] : memref<32x5x128xi32, #tpu.memory_space<hbm>> -> memref<1x5x128xi32, #tpu.memory_space<hbm>>
      %dma_start3A_109 = tpu.memref_squeeze %dma_start3A_108 : memref<1x5x128xi32, #tpu.memory_space<hbm>> -> memref<5x128xi32, #tpu.memory_space<hbm>>
      %dma_start3A_110 = arith.constant 0 : i32
      %dma_start3A_111 = arith.constant 0 : i32
      %dma_start3A_112 = tpu.memref_slice %arg3[%add3A, %dma_start3A_110, %dma_start3A_111] : memref<32x5x128xi32, #tpu.memory_space<hbm>> -> memref<1x5x128xi32, #tpu.memory_space<hbm>>
      %dma_start3A_113 = tpu.memref_squeeze %dma_start3A_112 : memref<1x5x128xi32, #tpu.memory_space<hbm>> -> memref<5x128xi32, #tpu.memory_space<hbm>>
      tpu.enqueue_dma source(%dma_start3A_113 : memref<5x128xi32, #tpu.memory_space<hbm>>) target(%arg5 : memref<5x128xi32, #tpu.memory_space<vmem>>) target_semaphore(%run_scoped3A : memref<!tpu.dma_semaphore, #tpu.memory_space<semaphore_mem>>)
      %dma_wait3A_114 = arith.constant 0 : i32
      %dma_wait3A_115 = arith.constant 0 : i32
      %dma_wait3A_116 = tpu.memref_slice %arg3[%add3A, %dma_wait3A_114, %dma_wait3A_115] : memref<32x5x128xi32, #tpu.memory_space<hbm>> -> memref<1x5x128xi32, #tpu.memory_space<hbm>>
      %dma_wait3A_117 = tpu.memref_squeeze %dma_wait3A_116 : memref<1x5x128xi32, #tpu.memory_space<hbm>> -> memref<5x128xi32, #tpu.memory_space<hbm>>
      %dma_wait3A_118 = arith.constant 0 : i32
      %dma_wait3A_119 = arith.constant 0 : i32
      %dma_wait3A_120 = tpu.memref_slice %arg3[%add3A, %dma_wait3A_118, %dma_wait3A_119] : memref<32x5x128xi32, #tpu.memory_space<hbm>> -> memref<1x5x128xi32, #tpu.memory_space<hbm>>
      %dma_wait3A_121 = tpu.memref_squeeze %dma_wait3A_120 : memref<1x5x128xi32, #tpu.memory_space<hbm>> -> memref<5x128xi32, #tpu.memory_space<hbm>>
      tpu.wait_dma2 semaphore(%run_scoped3A : memref<!tpu.dma_semaphore, #tpu.memory_space<semaphore_mem>>) src(%dma_wait3A_121 : memref<5x128xi32, #tpu.memory_space<hbm>>) dst(%arg5 : memref<5x128xi32, #tpu.memory_space<vmem>>)
      tpu.yield
    }) : () -> ()
    %dma_start3A = arith.constant 0 : i32
    %dma_start3A_1 = arith.constant 0 : i32
    %dma_start3A_2 = arith.constant 0 : i32
    %dma_start3A_3 = tpu.memref_slice %arg6[%dma_start3A_1, %dma_start3A_2] : memref<640x32xf32, #tpu.memory_space<vmem>> -> memref<128x32xf32, #tpu.memory_space<vmem>>
    %dma_start3A_4 = arith.constant 0 : i32
    %dma_start3A_5 = tpu.memref_slice %arg5[%dma_start3A, %dma_start3A_4] : memref<5x128xi32, #tpu.memory_space<vmem>> -> memref<1x128xi32, #tpu.memory_space<vmem>>
    %dma_start3A_6 = tpu.memref_squeeze %dma_start3A_5 : memref<1x128xi32, #tpu.memory_space<vmem>> -> memref<128xi32, #tpu.memory_space<vmem>>
    %dma_start3A_7 = arith.constant 0 : i32
    %dma_start3A_8 = arith.constant 0 : i32
    %dma_start3A_9 = tpu.memref_slice %arg2[%dma_start3A_7, %dma_start3A_8] : memref<100000x32xf32, #tpu.memory_space<hbm>> -> memref<100000x32xf32, #tpu.memory_space<hbm>>
    tpu.enqueue_indirect_dma source(%dma_start3A_9 : memref<100000x32xf32, #tpu.memory_space<hbm>>) target(%dma_start3A_3 : memref<128x32xf32, #tpu.memory_space<vmem>>) offsets(%dma_start3A_6 : memref<128xi32, #tpu.memory_space<vmem>>) semaphore(%arg8 : memref<!tpu.dma_semaphore, #tpu.memory_space<semaphore_mem>>)
    %dma_start3A_10 = arith.constant 1 : i32
    %dma_start3A_11 = arith.constant 128 : i32
    %dma_start3A_12 = arith.constant 0 : i32
    %dma_start3A_13 = tpu.memref_slice %arg6[%dma_start3A_11, %dma_start3A_12] : memref<640x32xf32, #tpu.memory_space<vmem>> -> memref<128x32xf32, #tpu.memory_space<vmem>>
    %dma_start3A_14 = arith.constant 0 : i32
    %dma_start3A_15 = tpu.memref_slice %arg5[%dma_start3A_10, %dma_start3A_14] : memref<5x128xi32, #tpu.memory_space<vmem>> -> memref<1x128xi32, #tpu.memory_space<vmem>>
    %dma_start3A_16 = tpu.memref_squeeze %dma_start3A_15 : memref<1x128xi32, #tpu.memory_space<vmem>> -> memref<128xi32, #tpu.memory_space<vmem>>
    %dma_start3A_17 = arith.constant 0 : i32
    %dma_start3A_18 = arith.constant 0 : i32
    %dma_start3A_19 = tpu.memref_slice %arg2[%dma_start3A_17, %dma_start3A_18] : memref<100000x32xf32, #tpu.memory_space<hbm>> -> memref<100000x32xf32, #tpu.memory_space<hbm>>
    tpu.enqueue_indirect_dma source(%dma_start3A_19 : memref<100000x32xf32, #tpu.memory_space<hbm>>) target(%dma_start3A_13 : memref<128x32xf32, #tpu.memory_space<vmem>>) offsets(%dma_start3A_16 : memref<128xi32, #tpu.memory_space<vmem>>) semaphore(%arg8 : memref<!tpu.dma_semaphore, #tpu.memory_space<semaphore_mem>>)
    %dma_start3A_20 = arith.constant 2 : i32
    %dma_start3A_21 = arith.constant 256 : i32
    %dma_start3A_22 = arith.constant 0 : i32
    %dma_start3A_23 = tpu.memref_slice %arg6[%dma_start3A_21, %dma_start3A_22] : memref<640x32xf32, #tpu.memory_space<vmem>> -> memref<128x32xf32, #tpu.memory_space<vmem>>
    %dma_start3A_24 = arith.constant 0 : i32
    %dma_start3A_25 = tpu.memref_slice %arg5[%dma_start3A_20, %dma_start3A_24] : memref<5x128xi32, #tpu.memory_space<vmem>> -> memref<1x128xi32, #tpu.memory_space<vmem>>
    %dma_start3A_26 = tpu.memref_squeeze %dma_start3A_25 : memref<1x128xi32, #tpu.memory_space<vmem>> -> memref<128xi32, #tpu.memory_space<vmem>>
    %dma_start3A_27 = arith.constant 0 : i32
    %dma_start3A_28 = arith.constant 0 : i32
    %dma_start3A_29 = tpu.memref_slice %arg2[%dma_start3A_27, %dma_start3A_28] : memref<100000x32xf32, #tpu.memory_space<hbm>> -> memref<100000x32xf32, #tpu.memory_space<hbm>>
    tpu.enqueue_indirect_dma source(%dma_start3A_29 : memref<100000x32xf32, #tpu.memory_space<hbm>>) target(%dma_start3A_23 : memref<128x32xf32, #tpu.memory_space<vmem>>) offsets(%dma_start3A_26 : memref<128xi32, #tpu.memory_space<vmem>>) semaphore(%arg8 : memref<!tpu.dma_semaphore, #tpu.memory_space<semaphore_mem>>)
    %dma_start3A_30 = arith.constant 3 : i32
    %dma_start3A_31 = arith.constant 384 : i32
    %dma_start3A_32 = arith.constant 0 : i32
    %dma_start3A_33 = tpu.memref_slice %arg6[%dma_start3A_31, %dma_start3A_32] : memref<640x32xf32, #tpu.memory_space<vmem>> -> memref<128x32xf32, #tpu.memory_space<vmem>>
    %dma_start3A_34 = arith.constant 0 : i32
    %dma_start3A_35 = tpu.memref_slice %arg5[%dma_start3A_30, %dma_start3A_34] : memref<5x128xi32, #tpu.memory_space<vmem>> -> memref<1x128xi32, #tpu.memory_space<vmem>>
    %dma_start3A_36 = tpu.memref_squeeze %dma_start3A_35 : memref<1x128xi32, #tpu.memory_space<vmem>> -> memref<128xi32, #tpu.memory_space<vmem>>
    %dma_start3A_37 = arith.constant 0 : i32
    %dma_start3A_38 = arith.constant 0 : i32
    %dma_start3A_39 = tpu.memref_slice %arg2[%dma_start3A_37, %dma_start3A_38] : memref<100000x32xf32, #tpu.memory_space<hbm>> -> memref<100000x32xf32, #tpu.memory_space<hbm>>
    tpu.enqueue_indirect_dma source(%dma_start3A_39 : memref<100000x32xf32, #tpu.memory_space<hbm>>) target(%dma_start3A_33 : memref<128x32xf32, #tpu.memory_space<vmem>>) offsets(%dma_start3A_36 : memref<128xi32, #tpu.memory_space<vmem>>) semaphore(%arg8 : memref<!tpu.dma_semaphore, #tpu.memory_space<semaphore_mem>>)
    %dma_start3A_40 = arith.constant 4 : i32
    %dma_start3A_41 = arith.constant 512 : i32
    %dma_start3A_42 = arith.constant 0 : i32
    %dma_start3A_43 = tpu.memref_slice %arg6[%dma_start3A_41, %dma_start3A_42] : memref<640x32xf32, #tpu.memory_space<vmem>> -> memref<128x32xf32, #tpu.memory_space<vmem>>
    %dma_start3A_44 = arith.constant 0 : i32
    %dma_start3A_45 = tpu.memref_slice %arg5[%dma_start3A_40, %dma_start3A_44] : memref<5x128xi32, #tpu.memory_space<vmem>> -> memref<1x128xi32, #tpu.memory_space<vmem>>
    %dma_start3A_46 = tpu.memref_squeeze %dma_start3A_45 : memref<1x128xi32, #tpu.memory_space<vmem>> -> memref<128xi32, #tpu.memory_space<vmem>>
    %dma_start3A_47 = arith.constant 0 : i32
    %dma_start3A_48 = arith.constant 0 : i32
    %dma_start3A_49 = tpu.memref_slice %arg2[%dma_start3A_47, %dma_start3A_48] : memref<100000x32xf32, #tpu.memory_space<hbm>> -> memref<100000x32xf32, #tpu.memory_space<hbm>>
    tpu.enqueue_indirect_dma source(%dma_start3A_49 : memref<100000x32xf32, #tpu.memory_space<hbm>>) target(%dma_start3A_43 : memref<128x32xf32, #tpu.memory_space<vmem>>) offsets(%dma_start3A_46 : memref<128xi32, #tpu.memory_space<vmem>>) semaphore(%arg8 : memref<!tpu.dma_semaphore, #tpu.memory_space<semaphore_mem>>)
    %dma_wait3A = arith.constant 0 : i32
    %dma_wait3A_50 = arith.constant 0 : i32
    %dma_wait3A_51 = arith.constant 0 : i32
    %dma_wait3A_52 = tpu.memref_slice %arg6[%dma_wait3A_50, %dma_wait3A_51] : memref<640x32xf32, #tpu.memory_space<vmem>> -> memref<128x32xf32, #tpu.memory_space<vmem>>
    %dma_wait3A_53 = arith.constant 0 : i32
    %dma_wait3A_54 = tpu.memref_slice %arg5[%dma_wait3A, %dma_wait3A_53] : memref<5x128xi32, #tpu.memory_space<vmem>> -> memref<1x128xi32, #tpu.memory_space<vmem>>
    %dma_wait3A_55 = tpu.memref_squeeze %dma_wait3A_54 : memref<1x128xi32, #tpu.memory_space<vmem>> -> memref<128xi32, #tpu.memory_space<vmem>>
    %dma_wait3A_56 = arith.constant 0 : i32
    %dma_wait3A_57 = arith.constant 0 : i32
    %dma_wait3A_58 = tpu.memref_slice %arg2[%dma_wait3A_56, %dma_wait3A_57] : memref<100000x32xf32, #tpu.memory_space<hbm>> -> memref<100000x32xf32, #tpu.memory_space<hbm>>
    tpu.wait_indirect_dma semaphore(%arg8 : memref<!tpu.dma_semaphore, #tpu.memory_space<semaphore_mem>>) src(%dma_wait3A_58 : memref<100000x32xf32, #tpu.memory_space<hbm>>) dst(%dma_wait3A_52 : memref<128x32xf32, #tpu.memory_space<vmem>>)
    %dma_wait3A_59 = arith.constant 1 : i32
    %dma_wait3A_60 = arith.constant 128 : i32
    %dma_wait3A_61 = arith.constant 0 : i32
    %dma_wait3A_62 = tpu.memref_slice %arg6[%dma_wait3A_60, %dma_wait3A_61] : memref<640x32xf32, #tpu.memory_space<vmem>> -> memref<128x32xf32, #tpu.memory_space<vmem>>
    %dma_wait3A_63 = arith.constant 0 : i32
    %dma_wait3A_64 = tpu.memref_slice %arg5[%dma_wait3A_59, %dma_wait3A_63] : memref<5x128xi32, #tpu.memory_space<vmem>> -> memref<1x128xi32, #tpu.memory_space<vmem>>
    %dma_wait3A_65 = tpu.memref_squeeze %dma_wait3A_64 : memref<1x128xi32, #tpu.memory_space<vmem>> -> memref<128xi32, #tpu.memory_space<vmem>>
    %dma_wait3A_66 = arith.constant 0 : i32
    %dma_wait3A_67 = arith.constant 0 : i32
    %dma_wait3A_68 = tpu.memref_slice %arg2[%dma_wait3A_66, %dma_wait3A_67] : memref<100000x32xf32, #tpu.memory_space<hbm>> -> memref<100000x32xf32, #tpu.memory_space<hbm>>
    tpu.wait_indirect_dma semaphore(%arg8 : memref<!tpu.dma_semaphore, #tpu.memory_space<semaphore_mem>>) src(%dma_wait3A_68 : memref<100000x32xf32, #tpu.memory_space<hbm>>) dst(%dma_wait3A_62 : memref<128x32xf32, #tpu.memory_space<vmem>>)
    %dma_wait3A_69 = arith.constant 2 : i32
    %dma_wait3A_70 = arith.constant 256 : i32
    %dma_wait3A_71 = arith.constant 0 : i32
    %dma_wait3A_72 = tpu.memref_slice %arg6[%dma_wait3A_70, %dma_wait3A_71] : memref<640x32xf32, #tpu.memory_space<vmem>> -> memref<128x32xf32, #tpu.memory_space<vmem>>
    %dma_wait3A_73 = arith.constant 0 : i32
    %dma_wait3A_74 = tpu.memref_slice %arg5[%dma_wait3A_69, %dma_wait3A_73] : memref<5x128xi32, #tpu.memory_space<vmem>> -> memref<1x128xi32, #tpu.memory_space<vmem>>
    %dma_wait3A_75 = tpu.memref_squeeze %dma_wait3A_74 : memref<1x128xi32, #tpu.memory_space<vmem>> -> memref<128xi32, #tpu.memory_space<vmem>>
    %dma_wait3A_76 = arith.constant 0 : i32
    %dma_wait3A_77 = arith.constant 0 : i32
    %dma_wait3A_78 = tpu.memref_slice %arg2[%dma_wait3A_76, %dma_wait3A_77] : memref<100000x32xf32, #tpu.memory_space<hbm>> -> memref<100000x32xf32, #tpu.memory_space<hbm>>
    tpu.wait_indirect_dma semaphore(%arg8 : memref<!tpu.dma_semaphore, #tpu.memory_space<semaphore_mem>>) src(%dma_wait3A_78 : memref<100000x32xf32, #tpu.memory_space<hbm>>) dst(%dma_wait3A_72 : memref<128x32xf32, #tpu.memory_space<vmem>>)
    %dma_wait3A_79 = arith.constant 3 : i32
    %dma_wait3A_80 = arith.constant 384 : i32
    %dma_wait3A_81 = arith.constant 0 : i32
    %dma_wait3A_82 = tpu.memref_slice %arg6[%dma_wait3A_80, %dma_wait3A_81] : memref<640x32xf32, #tpu.memory_space<vmem>> -> memref<128x32xf32, #tpu.memory_space<vmem>>
    %dma_wait3A_83 = arith.constant 0 : i32
    %dma_wait3A_84 = tpu.memref_slice %arg5[%dma_wait3A_79, %dma_wait3A_83] : memref<5x128xi32, #tpu.memory_space<vmem>> -> memref<1x128xi32, #tpu.memory_space<vmem>>
    %dma_wait3A_85 = tpu.memref_squeeze %dma_wait3A_84 : memref<1x128xi32, #tpu.memory_space<vmem>> -> memref<128xi32, #tpu.memory_space<vmem>>
    %dma_wait3A_86 = arith.constant 0 : i32
    %dma_wait3A_87 = arith.constant 0 : i32
    %dma_wait3A_88 = tpu.memref_slice %arg2[%dma_wait3A_86, %dma_wait3A_87] : memref<100000x32xf32, #tpu.memory_space<hbm>> -> memref<100000x32xf32, #tpu.memory_space<hbm>>
    tpu.wait_indirect_dma semaphore(%arg8 : memref<!tpu.dma_semaphore, #tpu.memory_space<semaphore_mem>>) src(%dma_wait3A_88 : memref<100000x32xf32, #tpu.memory_space<hbm>>) dst(%dma_wait3A_82 : memref<128x32xf32, #tpu.memory_space<vmem>>)
    %dma_wait3A_89 = arith.constant 4 : i32
    %dma_wait3A_90 = arith.constant 512 : i32
    %dma_wait3A_91 = arith.constant 0 : i32
    %dma_wait3A_92 = tpu.memref_slice %arg6[%dma_wait3A_90, %dma_wait3A_91] : memref<640x32xf32, #tpu.memory_space<vmem>> -> memref<128x32xf32, #tpu.memory_space<vmem>>
    %dma_wait3A_93 = arith.constant 0 : i32
    %dma_wait3A_94 = tpu.memref_slice %arg5[%dma_wait3A_89, %dma_wait3A_93] : memref<5x128xi32, #tpu.memory_space<vmem>> -> memref<1x128xi32, #tpu.memory_space<vmem>>
    %dma_wait3A_95 = tpu.memref_squeeze %dma_wait3A_94 : memref<1x128xi32, #tpu.memory_space<vmem>> -> memref<128xi32, #tpu.memory_space<vmem>>
    %dma_wait3A_96 = arith.constant 0 : i32
    %dma_wait3A_97 = arith.constant 0 : i32
    %dma_wait3A_98 = tpu.memref_slice %arg2[%dma_wait3A_96, %dma_wait3A_97] : memref<100000x32xf32, #tpu.memory_space<hbm>> -> memref<100000x32xf32, #tpu.memory_space<hbm>>
    tpu.wait_indirect_dma semaphore(%arg8 : memref<!tpu.dma_semaphore, #tpu.memory_space<semaphore_mem>>) src(%dma_wait3A_98 : memref<100000x32xf32, #tpu.memory_space<hbm>>) dst(%dma_wait3A_92 : memref<128x32xf32, #tpu.memory_space<vmem>>)
    %scan3A = arith.constant 0 : i32
    %scan3A_99 = arith.constant 0 : i32
    %scan3A_100 = arith.constant 32 : i32
    %scan3A_101 = arith.addi %scan3A_99, %scan3A_100 : i32
    %scan3A_102 = arith.constant 1 : i32
    scf.for %scan3A_106 = %scan3A_99 to %scan3A_101 step %scan3A_102  : i32 {
      %mul3A_107 = arith.constant 20 : i32
      %mul3A_108 = arith.muli %scan3A_106, %mul3A_107 : i32
      %get3A = arith.index_cast %mul3A_108 : i32 to index
      %get3A_109 = arith.constant 0 : index
      %get3A_110 = tpu.vector_load %arg6[%get3A, %get3A_109] {strides = array<i32>} : memref<640x32xf32, #tpu.memory_space<vmem>>, vector<1x16xf32>,
      %get3A_111 = vector.shape_cast %get3A_110 : vector<1x16xf32> to vector<16xf32>
      %get3A_112 = arith.index_cast %mul3A_108 : i32 to index
      %get3A_113 = arith.constant 16 : index
      %get3A_114 = tpu.vector_load %arg6[%get3A_112, %get3A_113] {strides = array<i32>} : memref<640x32xf32, #tpu.memory_space<vmem>>, vector<1x16xf32>,
      %get3A_115 = vector.shape_cast %get3A_114 : vector<1x16xf32> to vector<16xf32>
      %add3A_116 = arith.constant 1 : i32
      %add3A_117 = arith.addi %mul3A_108, %add3A_116 : i32
      %get3A_118 = arith.index_cast %add3A_117 : i32 to index
      %get3A_119 = arith.constant 0 : index
      %get3A_120 = tpu.vector_load %arg6[%get3A_118, %get3A_119] {strides = array<i32>} : memref<640x32xf32, #tpu.memory_space<vmem>>, vector<1x16xf32>,
      %get3A_121 = vector.shape_cast %get3A_120 : vector<1x16xf32> to vector<16xf32>
      %add3A_122 = arith.addf %get3A_111, %get3A_121 : vector<16xf32>
      %add3A_123 = arith.constant 1 : i32
      %add3A_124 = arith.addi %mul3A_108, %add3A_123 : i32
      %get3A_125 = arith.index_cast %add3A_124 : i32 to index
      %get3A_126 = arith.constant 16 : index
      %get3A_127 = tpu.vector_load %arg6[%get3A_125, %get3A_126] {strides = array<i32>} : memref<640x32xf32, #tpu.memory_space<vmem>>, vector<1x16xf32>,
      %get3A_128 = vector.shape_cast %get3A_127 : vector<1x16xf32> to vector<16xf32>
      %add3A_129 = arith.addf %get3A_115, %get3A_128 : vector<16xf32>
      %add3A_130 = arith.constant 2 : i32
      %add3A_131 = arith.addi %mul3A_108, %add3A_130 : i32
      %get3A_132 = arith.index_cast %add3A_131 : i32 to index
      %get3A_133 = arith.constant 0 : index
      %get3A_134 = tpu.vector_load %arg6[%get3A_132, %get3A_133] {strides = array<i32>} : memref<640x32xf32, #tpu.memory_space<vmem>>, vector<1x16xf32>,
      %get3A_135 = vector.shape_cast %get3A_134 : vector<1x16xf32> to vector<16xf32>
      %add3A_136 = arith.addf %add3A_122, %get3A_135 : vector<16xf32>
      %add3A_137 = arith.constant 2 : i32
      %add3A_138 = arith.addi %mul3A_108, %add3A_137 : i32
      %get3A_139 = arith.index_cast %add3A_138 : i32 to index
      %get3A_140 = arith.constant 16 : index
      %get3A_141 = tpu.vector_load %arg6[%get3A_139, %get3A_140] {strides = array<i32>} : memref<640x32xf32, #tpu.memory_space<vmem>>, vector<1x16xf32>,
      %get3A_142 = vector.shape_cast %get3A_141 : vector<1x16xf32> to vector<16xf32>
      %add3A_143 = arith.addf %add3A_129, %get3A_142 : vector<16xf32>
      %add3A_144 = arith.constant 3 : i32
      %add3A_145 = arith.addi %mul3A_108, %add3A_144 : i32
      %get3A_146 = arith.index_cast %add3A_145 : i32 to index
      %get3A_147 = arith.constant 0 : index
      %get3A_148 = tpu.vector_load %arg6[%get3A_146, %get3A_147] {strides = array<i32>} : memref<640x32xf32, #tpu.memory_space<vmem>>, vector<1x16xf32>,
      %get3A_149 = vector.shape_cast %get3A_148 : vector<1x16xf32> to vector<16xf32>
      %add3A_150 = arith.addf %add3A_136, %get3A_149 : vector<16xf32>
      %add3A_151 = arith.constant 3 : i32
      %add3A_152 = arith.addi %mul3A_108, %add3A_151 : i32
      %get3A_153 = arith.index_cast %add3A_152 : i32 to index
      %get3A_154 = arith.constant 16 : index
      %get3A_155 = tpu.vector_load %arg6[%get3A_153, %get3A_154] {strides = array<i32>} : memref<640x32xf32, #tpu.memory_space<vmem>>, vector<1x16xf32>,
      %get3A_156 = vector.shape_cast %get3A_155 : vector<1x16xf32> to vector<16xf32>
      %add3A_157 = arith.addf %add3A_143, %get3A_156 : vector<16xf32>
      %add3A_158 = arith.constant 4 : i32
      %add3A_159 = arith.addi %mul3A_108, %add3A_158 : i32
      %get3A_160 = arith.index_cast %add3A_159 : i32 to index
      %get3A_161 = arith.constant 0 : index
      %get3A_162 = tpu.vector_load %arg6[%get3A_160, %get3A_161] {strides = array<i32>} : memref<640x32xf32, #tpu.memory_space<vmem>>, vector<1x16xf32>,
      %get3A_163 = vector.shape_cast %get3A_162 : vector<1x16xf32> to vector<16xf32>
      %add3A_164 = arith.addf %add3A_150, %get3A_163 : vector<16xf32>
      %add3A_165 = arith.constant 4 : i32
      %add3A_166 = arith.addi %mul3A_108, %add3A_165 : i32
      %get3A_167 = arith.index_cast %add3A_166 : i32 to index
      %get3A_168 = arith.constant 16 : index
      %get3A_169 = tpu.vector_load %arg6[%get3A_167, %get3A_168] {strides = array<i32>} : memref<640x32xf32, #tpu.memory_space<vmem>>, vector<1x16xf32>,
      %get3A_170 = vector.shape_cast %get3A_169 : vector<1x16xf32> to vector<16xf32>
      %add3A_171 = arith.addf %add3A_157, %get3A_170 : vector<16xf32>
      %add3A_172 = arith.constant 5 : i32
      %add3A_173 = arith.addi %mul3A_108, %add3A_172 : i32
      %get3A_174 = arith.index_cast %add3A_173 : i32 to index
      %get3A_175 = arith.constant 0 : index
      %get3A_176 = tpu.vector_load %arg6[%get3A_174, %get3A_175] {strides = array<i32>} : memref<640x32xf32, #tpu.memory_space<vmem>>, vector<1x16xf32>,
      %get3A_177 = vector.shape_cast %get3A_176 : vector<1x16xf32> to vector<16xf32>
      %add3A_178 = arith.addf %add3A_164, %get3A_177 : vector<16xf32>
      %add3A_179 = arith.constant 5 : i32
      %add3A_180 = arith.addi %mul3A_108, %add3A_179 : i32
      %get3A_181 = arith.index_cast %add3A_180 : i32 to index
      %get3A_182 = arith.constant 16 : index
      %get3A_183 = tpu.vector_load %arg6[%get3A_181, %get3A_182] {strides = array<i32>} : memref<640x32xf32, #tpu.memory_space<vmem>>, vector<1x16xf32>,
      %get3A_184 = vector.shape_cast %get3A_183 : vector<1x16xf32> to vector<16xf32>
      %add3A_185 = arith.addf %add3A_171, %get3A_184 : vector<16xf32>
      %add3A_186 = arith.constant 6 : i32
      %add3A_187 = arith.addi %mul3A_108, %add3A_186 : i32
      %get3A_188 = arith.index_cast %add3A_187 : i32 to index
      %get3A_189 = arith.constant 0 : index
      %get3A_190 = tpu.vector_load %arg6[%get3A_188, %get3A_189] {strides = array<i32>} : memref<640x32xf32, #tpu.memory_space<vmem>>, vector<1x16xf32>,
      %get3A_191 = vector.shape_cast %get3A_190 : vector<1x16xf32> to vector<16xf32>
      %add3A_192 = arith.addf %add3A_178, %get3A_191 : vector<16xf32>
      %add3A_193 = arith.constant 6 : i32
      %add3A_194 = arith.addi %mul3A_108, %add3A_193 : i32
      %get3A_195 = arith.index_cast %add3A_194 : i32 to index
      %get3A_196 = arith.constant 16 : index
      %get3A_197 = tpu.vector_load %arg6[%get3A_195, %get3A_196] {strides = array<i32>} : memref<640x32xf32, #tpu.memory_space<vmem>>, vector<1x16xf32>,
      %get3A_198 = vector.shape_cast %get3A_197 : vector<1x16xf32> to vector<16xf32>
      %add3A_199 = arith.addf %add3A_185, %get3A_198 : vector<16xf32>
      %add3A_200 = arith.constant 7 : i32
      %add3A_201 = arith.addi %mul3A_108, %add3A_200 : i32
      %get3A_202 = arith.index_cast %add3A_201 : i32 to index
      %get3A_203 = arith.constant 0 : index
      %get3A_204 = tpu.vector_load %arg6[%get3A_202, %get3A_203] {strides = array<i32>} : memref<640x32xf32, #tpu.memory_space<vmem>>, vector<1x16xf32>,
      %get3A_205 = vector.shape_cast %get3A_204 : vector<1x16xf32> to vector<16xf32>
      %add3A_206 = arith.addf %add3A_192, %get3A_205 : vector<16xf32>
      %add3A_207 = arith.constant 7 : i32
      %add3A_208 = arith.addi %mul3A_108, %add3A_207 : i32
      %get3A_209 = arith.index_cast %add3A_208 : i32 to index
      %get3A_210 = arith.constant 16 : index
      %get3A_211 = tpu.vector_load %arg6[%get3A_209, %get3A_210] {strides = array<i32>} : memref<640x32xf32, #tpu.memory_space<vmem>>, vector<1x16xf32>,
      %get3A_212 = vector.shape_cast %get3A_211 : vector<1x16xf32> to vector<16xf32>
      %add3A_213 = arith.addf %add3A_199, %get3A_212 : vector<16xf32>
      %add3A_214 = arith.constant 8 : i32
      %add3A_215 = arith.addi %mul3A_108, %add3A_214 : i32
      %get3A_216 = arith.index_cast %add3A_215 : i32 to index
      %get3A_217 = arith.constant 0 : index
      %get3A_218 = tpu.vector_load %arg6[%get3A_216, %get3A_217] {strides = array<i32>} : memref<640x32xf32, #tpu.memory_space<vmem>>, vector<1x16xf32>,
      %get3A_219 = vector.shape_cast %get3A_218 : vector<1x16xf32> to vector<16xf32>
      %add3A_220 = arith.addf %add3A_206, %get3A_219 : vector<16xf32>
      %add3A_221 = arith.constant 8 : i32
      %add3A_222 = arith.addi %mul3A_108, %add3A_221 : i32
      %get3A_223 = arith.index_cast %add3A_222 : i32 to index
      %get3A_224 = arith.constant 16 : index
      %get3A_225 = tpu.vector_load %arg6[%get3A_223, %get3A_224] {strides = array<i32>} : memref<640x32xf32, #tpu.memory_space<vmem>>, vector<1x16xf32>,
      %get3A_226 = vector.shape_cast %get3A_225 : vector<1x16xf32> to vector<16xf32>
      %add3A_227 = arith.addf %add3A_213, %get3A_226 : vector<16xf32>
      %add3A_228 = arith.constant 9 : i32
      %add3A_229 = arith.addi %mul3A_108, %add3A_228 : i32
      %get3A_230 = arith.index_cast %add3A_229 : i32 to index
      %get3A_231 = arith.constant 0 : index
      %get3A_232 = tpu.vector_load %arg6[%get3A_230, %get3A_231] {strides = array<i32>} : memref<640x32xf32, #tpu.memory_space<vmem>>, vector<1x16xf32>,
      %get3A_233 = vector.shape_cast %get3A_232 : vector<1x16xf32> to vector<16xf32>
      %add3A_234 = arith.addf %add3A_220, %get3A_233 : vector<16xf32>
      %add3A_235 = arith.constant 9 : i32
      %add3A_236 = arith.addi %mul3A_108, %add3A_235 : i32
      %get3A_237 = arith.index_cast %add3A_236 : i32 to index
      %get3A_238 = arith.constant 16 : index
      %get3A_239 = tpu.vector_load %arg6[%get3A_237, %get3A_238] {strides = array<i32>} : memref<640x32xf32, #tpu.memory_space<vmem>>, vector<1x16xf32>,
      %get3A_240 = vector.shape_cast %get3A_239 : vector<1x16xf32> to vector<16xf32>
      %add3A_241 = arith.addf %add3A_227, %get3A_240 : vector<16xf32>
      %add3A_242 = arith.constant 10 : i32
      %add3A_243 = arith.addi %mul3A_108, %add3A_242 : i32
      %get3A_244 = arith.index_cast %add3A_243 : i32 to index
      %get3A_245 = arith.constant 0 : index
      %get3A_246 = tpu.vector_load %arg6[%get3A_244, %get3A_245] {strides = array<i32>} : memref<640x32xf32, #tpu.memory_space<vmem>>, vector<1x16xf32>,
      %get3A_247 = vector.shape_cast %get3A_246 : vector<1x16xf32> to vector<16xf32>
      %add3A_248 = arith.addf %add3A_234, %get3A_247 : vector<16xf32>
      %add3A_249 = arith.constant 10 : i32
      %add3A_250 = arith.addi %mul3A_108, %add3A_249 : i32
      %get3A_251 = arith.index_cast %add3A_250 : i32 to index
      %get3A_252 = arith.constant 16 : index
      %get3A_253 = tpu.vector_load %arg6[%get3A_251, %get3A_252] {strides = array<i32>} : memref<640x32xf32, #tpu.memory_space<vmem>>, vector<1x16xf32>,
      %get3A_254 = vector.shape_cast %get3A_253 : vector<1x16xf32> to vector<16xf32>
      %add3A_255 = arith.addf %add3A_241, %get3A_254 : vector<16xf32>
      %add3A_256 = arith.constant 11 : i32
      %add3A_257 = arith.addi %mul3A_108, %add3A_256 : i32
      %get3A_258 = arith.index_cast %add3A_257 : i32 to index
      %get3A_259 = arith.constant 0 : index
      %get3A_260 = tpu.vector_load %arg6[%get3A_258, %get3A_259] {strides = array<i32>} : memref<640x32xf32, #tpu.memory_space<vmem>>, vector<1x16xf32>,
      %get3A_261 = vector.shape_cast %get3A_260 : vector<1x16xf32> to vector<16xf32>
      %add3A_262 = arith.addf %add3A_248, %get3A_261 : vector<16xf32>
      %add3A_263 = arith.constant 11 : i32
      %add3A_264 = arith.addi %mul3A_108, %add3A_263 : i32
      %get3A_265 = arith.index_cast %add3A_264 : i32 to index
      %get3A_266 = arith.constant 16 : index
      %get3A_267 = tpu.vector_load %arg6[%get3A_265, %get3A_266] {strides = array<i32>} : memref<640x32xf32, #tpu.memory_space<vmem>>, vector<1x16xf32>,
      %get3A_268 = vector.shape_cast %get3A_267 : vector<1x16xf32> to vector<16xf32>
      %add3A_269 = arith.addf %add3A_255, %get3A_268 : vector<16xf32>
      %add3A_270 = arith.constant 12 : i32
      %add3A_271 = arith.addi %mul3A_108, %add3A_270 : i32
      %get3A_272 = arith.index_cast %add3A_271 : i32 to index
      %get3A_273 = arith.constant 0 : index
      %get3A_274 = tpu.vector_load %arg6[%get3A_272, %get3A_273] {strides = array<i32>} : memref<640x32xf32, #tpu.memory_space<vmem>>, vector<1x16xf32>,
      %get3A_275 = vector.shape_cast %get3A_274 : vector<1x16xf32> to vector<16xf32>
      %add3A_276 = arith.addf %add3A_262, %get3A_275 : vector<16xf32>
      %add3A_277 = arith.constant 12 : i32
      %add3A_278 = arith.addi %mul3A_108, %add3A_277 : i32
      %get3A_279 = arith.index_cast %add3A_278 : i32 to index
      %get3A_280 = arith.constant 16 : index
      %get3A_281 = tpu.vector_load %arg6[%get3A_279, %get3A_280] {strides = array<i32>} : memref<640x32xf32, #tpu.memory_space<vmem>>, vector<1x16xf32>,
      %get3A_282 = vector.shape_cast %get3A_281 : vector<1x16xf32> to vector<16xf32>
      %add3A_283 = arith.addf %add3A_269, %get3A_282 : vector<16xf32>
      %add3A_284 = arith.constant 13 : i32
      %add3A_285 = arith.addi %mul3A_108, %add3A_284 : i32
      %get3A_286 = arith.index_cast %add3A_285 : i32 to index
      %get3A_287 = arith.constant 0 : index
      %get3A_288 = tpu.vector_load %arg6[%get3A_286, %get3A_287] {strides = array<i32>} : memref<640x32xf32, #tpu.memory_space<vmem>>, vector<1x16xf32>,
      %get3A_289 = vector.shape_cast %get3A_288 : vector<1x16xf32> to vector<16xf32>
      %add3A_290 = arith.addf %add3A_276, %get3A_289 : vector<16xf32>
      %add3A_291 = arith.constant 13 : i32
      %add3A_292 = arith.addi %mul3A_108, %add3A_291 : i32
      %get3A_293 = arith.index_cast %add3A_292 : i32 to index
      %get3A_294 = arith.constant 16 : index
      %get3A_295 = tpu.vector_load %arg6[%get3A_293, %get3A_294] {strides = array<i32>} : memref<640x32xf32, #tpu.memory_space<vmem>>, vector<1x16xf32>,
      %get3A_296 = vector.shape_cast %get3A_295 : vector<1x16xf32> to vector<16xf32>
      %add3A_297 = arith.addf %add3A_283, %get3A_296 : vector<16xf32>
      %add3A_298 = arith.constant 14 : i32
      %add3A_299 = arith.addi %mul3A_108, %add3A_298 : i32
      %get3A_300 = arith.index_cast %add3A_299 : i32 to index
      %get3A_301 = arith.constant 0 : index
      %get3A_302 = tpu.vector_load %arg6[%get3A_300, %get3A_301] {strides = array<i32>} : memref<640x32xf32, #tpu.memory_space<vmem>>, vector<1x16xf32>,
      %get3A_303 = vector.shape_cast %get3A_302 : vector<1x16xf32> to vector<16xf32>
      %add3A_304 = arith.addf %add3A_290, %get3A_303 : vector<16xf32>
      %add3A_305 = arith.constant 14 : i32
      %add3A_306 = arith.addi %mul3A_108, %add3A_305 : i32
      %get3A_307 = arith.index_cast %add3A_306 : i32 to index
      %get3A_308 = arith.constant 16 : index
      %get3A_309 = tpu.vector_load %arg6[%get3A_307, %get3A_308] {strides = array<i32>} : memref<640x32xf32, #tpu.memory_space<vmem>>, vector<1x16xf32>,
      %get3A_310 = vector.shape_cast %get3A_309 : vector<1x16xf32> to vector<16xf32>
      %add3A_311 = arith.addf %add3A_297, %get3A_310 : vector<16xf32>
      %add3A_312 = arith.constant 15 : i32
      %add3A_313 = arith.addi %mul3A_108, %add3A_312 : i32
      %get3A_314 = arith.index_cast %add3A_313 : i32 to index
      %get3A_315 = arith.constant 0 : index
      %get3A_316 = tpu.vector_load %arg6[%get3A_314, %get3A_315] {strides = array<i32>} : memref<640x32xf32, #tpu.memory_space<vmem>>, vector<1x16xf32>,
      %get3A_317 = vector.shape_cast %get3A_316 : vector<1x16xf32> to vector<16xf32>
      %add3A_318 = arith.addf %add3A_304, %get3A_317 : vector<16xf32>
      %add3A_319 = arith.constant 15 : i32
      %add3A_320 = arith.addi %mul3A_108, %add3A_319 : i32
      %get3A_321 = arith.index_cast %add3A_320 : i32 to index
      %get3A_322 = arith.constant 16 : index
      %get3A_323 = tpu.vector_load %arg6[%get3A_321, %get3A_322] {strides = array<i32>} : memref<640x32xf32, #tpu.memory_space<vmem>>, vector<1x16xf32>,
      %get3A_324 = vector.shape_cast %get3A_323 : vector<1x16xf32> to vector<16xf32>
      %add3A_325 = arith.addf %add3A_311, %get3A_324 : vector<16xf32>
      %add3A_326 = arith.constant 16 : i32
      %add3A_327 = arith.addi %mul3A_108, %add3A_326 : i32
      %get3A_328 = arith.index_cast %add3A_327 : i32 to index
      %get3A_329 = arith.constant 0 : index
      %get3A_330 = tpu.vector_load %arg6[%get3A_328, %get3A_329] {strides = array<i32>} : memref<640x32xf32, #tpu.memory_space<vmem>>, vector<1x16xf32>,
      %get3A_331 = vector.shape_cast %get3A_330 : vector<1x16xf32> to vector<16xf32>
      %add3A_332 = arith.addf %add3A_318, %get3A_331 : vector<16xf32>
      %add3A_333 = arith.constant 16 : i32
      %add3A_334 = arith.addi %mul3A_108, %add3A_333 : i32
      %get3A_335 = arith.index_cast %add3A_334 : i32 to index
      %get3A_336 = arith.constant 16 : index
      %get3A_337 = tpu.vector_load %arg6[%get3A_335, %get3A_336] {strides = array<i32>} : memref<640x32xf32, #tpu.memory_space<vmem>>, vector<1x16xf32>,
      %get3A_338 = vector.shape_cast %get3A_337 : vector<1x16xf32> to vector<16xf32>
      %add3A_339 = arith.addf %add3A_325, %get3A_338 : vector<16xf32>
      %add3A_340 = arith.constant 17 : i32
      %add3A_341 = arith.addi %mul3A_108, %add3A_340 : i32
      %get3A_342 = arith.index_cast %add3A_341 : i32 to index
      %get3A_343 = arith.constant 0 : index
      %get3A_344 = tpu.vector_load %arg6[%get3A_342, %get3A_343] {strides = array<i32>} : memref<640x32xf32, #tpu.memory_space<vmem>>, vector<1x16xf32>,
      %get3A_345 = vector.shape_cast %get3A_344 : vector<1x16xf32> to vector<16xf32>
      %add3A_346 = arith.addf %add3A_332, %get3A_345 : vector<16xf32>
      %add3A_347 = arith.constant 17 : i32
      %add3A_348 = arith.addi %mul3A_108, %add3A_347 : i32
      %get3A_349 = arith.index_cast %add3A_348 : i32 to index
      %get3A_350 = arith.constant 16 : index
      %get3A_351 = tpu.vector_load %arg6[%get3A_349, %get3A_350] {strides = array<i32>} : memref<640x32xf32, #tpu.memory_space<vmem>>, vector<1x16xf32>,
      %get3A_352 = vector.shape_cast %get3A_351 : vector<1x16xf32> to vector<16xf32>
      %add3A_353 = arith.addf %add3A_339, %get3A_352 : vector<16xf32>
      %add3A_354 = arith.constant 18 : i32
      %add3A_355 = arith.addi %mul3A_108, %add3A_354 : i32
      %get3A_356 = arith.index_cast %add3A_355 : i32 to index
      %get3A_357 = arith.constant 0 : index
      %get3A_358 = tpu.vector_load %arg6[%get3A_356, %get3A_357] {strides = array<i32>} : memref<640x32xf32, #tpu.memory_space<vmem>>, vector<1x16xf32>,
      %get3A_359 = vector.shape_cast %get3A_358 : vector<1x16xf32> to vector<16xf32>
      %add3A_360 = arith.addf %add3A_346, %get3A_359 : vector<16xf32>
      %add3A_361 = arith.constant 18 : i32
      %add3A_362 = arith.addi %mul3A_108, %add3A_361 : i32
      %get3A_363 = arith.index_cast %add3A_362 : i32 to index
      %get3A_364 = arith.constant 16 : index
      %get3A_365 = tpu.vector_load %arg6[%get3A_363, %get3A_364] {strides = array<i32>} : memref<640x32xf32, #tpu.memory_space<vmem>>, vector<1x16xf32>,
      %get3A_366 = vector.shape_cast %get3A_365 : vector<1x16xf32> to vector<16xf32>
      %add3A_367 = arith.addf %add3A_353, %get3A_366 : vector<16xf32>
      %add3A_368 = arith.constant 19 : i32
      %add3A_369 = arith.addi %mul3A_108, %add3A_368 : i32
      %get3A_370 = arith.index_cast %add3A_369 : i32 to index
      %get3A_371 = arith.constant 0 : index
      %get3A_372 = tpu.vector_load %arg6[%get3A_370, %get3A_371] {strides = array<i32>} : memref<640x32xf32, #tpu.memory_space<vmem>>, vector<1x16xf32>,
      %get3A_373 = vector.shape_cast %get3A_372 : vector<1x16xf32> to vector<16xf32>
      %add3A_374 = arith.addf %add3A_360, %get3A_373 : vector<16xf32>
      %add3A_375 = arith.constant 19 : i32
      %add3A_376 = arith.addi %mul3A_108, %add3A_375 : i32
      %get3A_377 = arith.index_cast %add3A_376 : i32 to index
      %get3A_378 = arith.constant 16 : index
      %get3A_379 = tpu.vector_load %arg6[%get3A_377, %get3A_378] {strides = array<i32>} : memref<640x32xf32, #tpu.memory_space<vmem>>, vector<1x16xf32>,
      %get3A_380 = vector.shape_cast %get3A_379 : vector<1x16xf32> to vector<16xf32>
      %add3A_381 = arith.addf %add3A_367, %get3A_380 : vector<16xf32>
      %mul3A_382 = arith.constant 5.000000e-02 : f32
      %mul3A_383 = vector.broadcast %mul3A_382 : f32 to vector<16xf32>
      %mul3A_384 = arith.mulf %add3A_374, %mul3A_383 : vector<16xf32>
      %swap3A = arith.index_cast %scan3A_106 : i32 to index
      %swap3A_385 = arith.constant 0 : index
      %swap3A_386 = tpu.vector_load %arg7[%swap3A, %swap3A_385] {strides = array<i32>} : memref<32x32xf32, #tpu.memory_space<vmem>>, vector<1x16xf32>,
      %swap3A_387 = vector.shape_cast %swap3A_386 : vector<1x16xf32> to vector<16xf32>
      %swap3A_388 = vector.shape_cast %mul3A_384 : vector<16xf32> to vector<1x16xf32>
      tpu.vector_store %arg7[%swap3A, %swap3A_385], %swap3A_388 {strides = array<i32>} : memref<32x32xf32, #tpu.memory_space<vmem>>, vector<1x16xf32>,
      %mul3A_389 = arith.constant 5.000000e-02 : f32
      %mul3A_390 = vector.broadcast %mul3A_389 : f32 to vector<16xf32>
      %mul3A_391 = arith.mulf %add3A_381, %mul3A_390 : vector<16xf32>
      %swap3A_392 = arith.index_cast %scan3A_106 : i32 to index
      %swap3A_393 = arith.constant 16 : index
      %swap3A_394 = tpu.vector_load %arg7[%swap3A_392, %swap3A_393] {strides = array<i32>} : memref<32x32xf32, #tpu.memory_space<vmem>>, vector<1x16xf32>,
      %swap3A_395 = vector.shape_cast %swap3A_394 : vector<1x16xf32> to vector<16xf32>
      %swap3A_396 = vector.shape_cast %mul3A_391 : vector<16xf32> to vector<1x16xf32>
      tpu.vector_store %arg7[%swap3A_392, %swap3A_393], %swap3A_396 {strides = array<i32>} : memref<32x32xf32, #tpu.memory_space<vmem>>, vector<1x16xf32>,
    }
    %scan3A_103 = arith.constant 32 : i32
    %mul3A_104 = arith.constant 32 : i32
    %mul3A_105 = arith.muli %add3A, %mul3A_104 : i32
    "tpu.region"() ({
      %run_scoped3A = tpu.sem_alloc : memref<!tpu.dma_semaphore, #tpu.memory_space<semaphore_mem>>
      %dma_start3A_106 = arith.constant 0 : i32
      %dma_start3A_107 = tpu.memref_slice %arg4[%mul3A_105, %dma_start3A_106] : memref<1024x32xf32, #tpu.memory_space<hbm>> -> memref<32x32xf32, #tpu.memory_space<hbm>>
      %dma_start3A_108 = arith.constant 0 : i32
      %dma_start3A_109 = tpu.memref_slice %arg4[%mul3A_105, %dma_start3A_108] : memref<1024x32xf32, #tpu.memory_space<hbm>> -> memref<32x32xf32, #tpu.memory_space<hbm>>
      tpu.enqueue_dma source(%arg7 : memref<32x32xf32, #tpu.memory_space<vmem>>) target(%dma_start3A_109 : memref<32x32xf32, #tpu.memory_space<hbm>>) target_semaphore(%run_scoped3A : memref<!tpu.dma_semaphore, #tpu.memory_space<semaphore_mem>>)
      %dma_wait3A_110 = arith.constant 0 : i32
      %dma_wait3A_111 = tpu.memref_slice %arg4[%mul3A_105, %dma_wait3A_110] : memref<1024x32xf32, #tpu.memory_space<hbm>> -> memref<32x32xf32, #tpu.memory_space<hbm>>
      %dma_wait3A_112 = arith.constant 0 : i32
      %dma_wait3A_113 = tpu.memref_slice %arg4[%mul3A_105, %dma_wait3A_112] : memref<1024x32xf32, #tpu.memory_space<hbm>> -> memref<32x32xf32, #tpu.memory_space<hbm>>
      tpu.wait_dma2 semaphore(%run_scoped3A : memref<!tpu.dma_semaphore, #tpu.memory_space<semaphore_mem>>) src(%arg7 : memref<32x32xf32, #tpu.memory_space<vmem>>) dst(%dma_wait3A_113 : memref<32x32xf32, #tpu.memory_space<hbm>>)
      tpu.yield
    }) : () -> ()
    return
  }
}

module attributes {stable_mosaic.version = 14 : i64} {
  func.func @_softmax_rows_body(%arg0: i32, %arg1: memref<1024x32xf32, #tpu.memory_space<vmem>>, %arg2: memref<32x100000xf32, #tpu.memory_space<vmem>>, %arg3: memref<100000xf32, #tpu.memory_space<vmem>>, %arg4: memref<1024x100000xf32, #tpu.memory_space<any>>, %arg5: memref<4x16x100000xf32, #tpu.memory_space<vmem>>, %arg6: memref<4x!tpu.dma_semaphore, #tpu.memory_space<semaphore_mem>>) attributes {dimension_semantics = [#tpu.dimension_semantics<arbitrary>], iteration_bounds = array<i64: 64>, scalar_prefetch = 0 : i64, scratch_operands = 2 : i64, tpu.core_type = #tpu.core_type<tc>, window_params = [{pipeline_mode = #tpu.pipeline_mode<synchronous>, transform_indices = @transform_0, window_bounds = array<i64: 1024, 32>}, {pipeline_mode = #tpu.pipeline_mode<synchronous>, transform_indices = @transform_1, window_bounds = array<i64: 32, 100000>}, {pipeline_mode = #tpu.pipeline_mode<synchronous>, transform_indices = @transform_2, window_bounds = array<i64: 100000>}, {}]} {
    %rem3A = arith.constant 4 : i32
    %rem3A_0 = arith.remsi %arg0, %rem3A : i32
    %mul3A = arith.constant 16 : i32
    %mul3A_1 = arith.muli %arg0, %mul3A : i32
    %get3A = arith.index_cast %mul3A_1 : i32 to index
    %get3A_2 = arith.constant 0 : index
    %get3A_3 = vector.load %arg1[%get3A, %get3A_2] : memref<1024x32xf32, #tpu.memory_space<vmem>>, vector<16x32xf32>
    %get3A_4 = arith.constant 0 : index
    %get3A_5 = arith.constant 0 : index
    %get3A_6 = vector.load %arg2[%get3A_4, %get3A_5] : memref<32x100000xf32, #tpu.memory_space<vmem>>, vector<32x100000xf32>
    %dot_general3A = arith.constant dense<0.000000e+00> : vector<16x100000xf32>
    %dot_general3A_7 = tpu.matmul %get3A_3, %get3A_6, %dot_general3A {dimension_numbers = #tpu.dot_dimension_numbers<[1], [0], [0], [1], [0, 0, 1, 1], [], []>, transpose_lhs_hint = false} : vector<16x32xf32>, vector<32x100000xf32>, vector<16x100000xf32> -> vector<16x100000xf32>
    %get3A_8 = arith.constant 0 : index
    %get3A_9 = vector.load %arg3[%get3A_8] : memref<100000xf32, #tpu.memory_space<vmem>>, vector<100000xf32>
    %broadcast_in_dim3A = vector.shape_cast %get3A_9 : vector<100000xf32> to vector<1x100000xf32>
    %add3A = vector.broadcast %broadcast_in_dim3A : vector<1x100000xf32> to vector<16x100000xf32>
    %add3A_10 = arith.addf %dot_general3A_7, %add3A : vector<16x100000xf32>
    %exp3A = math.exp %add3A_10 : vector<16x100000xf32>
    %reduce_sum3A = arith.constant dense<0.000000e+00> : vector<16xf32>
    %reduce_sum3A_11 = vector.multi_reduction <add>, %exp3A, %reduce_sum3A [1] : vector<16x100000xf32> to vector<16xf32>
    %broadcast_in_dim3A_12 = vector.shape_cast %reduce_sum3A_11 : vector<16xf32> to vector<16x1xf32>
    %ge3A = arith.constant 4 : i32
    %ge3A_13 = arith.cmpi sge, %arg0, %ge3A : i32
    %convert_element_type3A = arith.extui %ge3A_13 : i1 to i32
    %cond3A = arith.constant 0 : i32
    %cond3A_14 = arith.cmpi ne, %convert_element_type3A, %cond3A : i32
    scf.if %cond3A_14 {
      %dma_wait3A = tpu.memref_slice %arg6[%rem3A_0] : memref<4x!tpu.dma_semaphore, #tpu.memory_space<semaphore_mem>> -> memref<1x!tpu.dma_semaphore, #tpu.memory_space<semaphore_mem>>
      %dma_wait3A_35 = tpu.memref_squeeze %dma_wait3A : memref<1x!tpu.dma_semaphore, #tpu.memory_space<semaphore_mem>> -> memref<!tpu.dma_semaphore, #tpu.memory_space<semaphore_mem>>
      %dma_wait3A_36 = arith.constant 0 : i32
      %dma_wait3A_37 = arith.constant 0 : i32
      %dma_wait3A_38 = tpu.memref_slice %arg4[%dma_wait3A_36, %dma_wait3A_37] : memref<1024x100000xf32, #tpu.memory_space<any>> -> memref<16x100000xf32, #tpu.memory_space<any>>
      %dma_wait3A_39 = arith.constant 0 : i32
      %dma_wait3A_40 = arith.constant 0 : i32
      %dma_wait3A_41 = tpu.memref_slice %arg5[%rem3A_0, %dma_wait3A_39, %dma_wait3A_40] : memref<4x16x100000xf32, #tpu.memory_space<vmem>> -> memref<1x16x100000xf32, #tpu.memory_space<vmem>>
      %dma_wait3A_42 = tpu.memref_squeeze %dma_wait3A_41 : memref<1x16x100000xf32, #tpu.memory_space<vmem>> -> memref<16x100000xf32, #tpu.memory_space<vmem>>
      tpu.wait_dma2 semaphore(%dma_wait3A_35 : memref<!tpu.dma_semaphore, #tpu.memory_space<semaphore_mem>>) src(%dma_wait3A_42 : memref<16x100000xf32, #tpu.memory_space<vmem>>) dst(%dma_wait3A_38 : memref<16x100000xf32, #tpu.memory_space<any>>)
    } else {
    }
    %div3A = arith.constant 1.000000e+00 : f32
    %div3A_15 = vector.broadcast %div3A : f32 to vector<16x1xf32>
    %div3A_16 = arith.divf %div3A_15, %broadcast_in_dim3A_12 : vector<16x1xf32>
    %mul3A_17 = vector.broadcast %div3A_16 : vector<16x1xf32> to vector<16x100000xf32>
    %mul3A_18 = arith.mulf %exp3A, %mul3A_17 : vector<16x100000xf32>
    %swap3A = arith.index_cast %rem3A_0 : i32 to index
    %swap3A_19 = arith.constant 0 : index
    %swap3A_20 = arith.constant 0 : index
    %swap3A_21 = vector.load %arg5[%swap3A, %swap3A_19, %swap3A_20] : memref<4x16x100000xf32, #tpu.memory_space<vmem>>, vector<1x16x100000xf32>
    %swap3A_22 = vector.shape_cast %swap3A_21 : vector<1x16x100000xf32> to vector<16x100000xf32>
    %swap3A_23 = vector.shape_cast %mul3A_18 : vector<16x100000xf32> to vector<1x16x100000xf32>
    tpu.vector_store %arg5[%swap3A, %swap3A_19, %swap3A_20], %swap3A_23 {strides = array<i32>} : memref<4x16x100000xf32, #tpu.memory_space<vmem>>, vector<1x16x100000xf32>,
    %dma_start3A = tpu.memref_slice %arg6[%rem3A_0] : memref<4x!tpu.dma_semaphore, #tpu.memory_space<semaphore_mem>> -> memref<1x!tpu.dma_semaphore, #tpu.memory_space<semaphore_mem>>
    %dma_start3A_24 = tpu.memref_squeeze %dma_start3A : memref<1x!tpu.dma_semaphore, #tpu.memory_space<semaphore_mem>> -> memref<!tpu.dma_semaphore, #tpu.memory_space<semaphore_mem>>
    %dma_start3A_25 = arith.constant 0 : i32
    %dma_start3A_26 = tpu.memref_slice %arg4[%mul3A_1, %dma_start3A_25] : memref<1024x100000xf32, #tpu.memory_space<any>> -> memref<16x100000xf32, #tpu.memory_space<any>>
    %dma_start3A_27 = arith.constant 0 : i32
    %dma_start3A_28 = arith.constant 0 : i32
    %dma_start3A_29 = tpu.memref_slice %arg5[%rem3A_0, %dma_start3A_27, %dma_start3A_28] : memref<4x16x100000xf32, #tpu.memory_space<vmem>> -> memref<1x16x100000xf32, #tpu.memory_space<vmem>>
    %dma_start3A_30 = tpu.memref_squeeze %dma_start3A_29 : memref<1x16x100000xf32, #tpu.memory_space<vmem>> -> memref<16x100000xf32, #tpu.memory_space<vmem>>
    tpu.enqueue_dma source(%dma_start3A_30 : memref<16x100000xf32, #tpu.memory_space<vmem>>) target(%dma_start3A_26 : memref<16x100000xf32, #tpu.memory_space<any>>) target_semaphore(%dma_start3A_24 : memref<!tpu.dma_semaphore, #tpu.memory_space<semaphore_mem>>)
    %eq3A = arith.constant 63 : i32
    %eq3A_31 = arith.cmpi eq, %arg0, %eq3A : i32
    %convert_element_type3A_32 = arith.extui %eq3A_31 : i1 to i32
    %cond3A_33 = arith.constant 0 : i32
    %cond3A_34 = arith.cmpi ne, %convert_element_type3A_32, %cond3A_33 : i32
    scf.if %cond3A_34 {
      %dma_wait3A = arith.constant 0 : i32
      %dma_wait3A_35 = arith.constant 0 : i32
      %dma_wait3A_36 = tpu.memref_slice %arg6[%dma_wait3A_35] : memref<4x!tpu.dma_semaphore, #tpu.memory_space<semaphore_mem>> -> memref<1x!tpu.dma_semaphore, #tpu.memory_space<semaphore_mem>>
      %dma_wait3A_37 = tpu.memref_squeeze %dma_wait3A_36 : memref<1x!tpu.dma_semaphore, #tpu.memory_space<semaphore_mem>> -> memref<!tpu.dma_semaphore, #tpu.memory_space<semaphore_mem>>
      %dma_wait3A_38 = arith.constant 960 : i32
      %dma_wait3A_39 = arith.constant 0 : i32
      %dma_wait3A_40 = tpu.memref_slice %arg4[%dma_wait3A_38, %dma_wait3A_39] : memref<1024x100000xf32, #tpu.memory_space<any>> -> memref<16x100000xf32, #tpu.memory_space<any>>
      %dma_wait3A_41 = arith.constant 0 : i32
      %dma_wait3A_42 = arith.constant 0 : i32
      %dma_wait3A_43 = tpu.memref_slice %arg5[%dma_wait3A, %dma_wait3A_41, %dma_wait3A_42] : memref<4x16x100000xf32, #tpu.memory_space<vmem>> -> memref<1x16x100000xf32, #tpu.memory_space<vmem>>
      %dma_wait3A_44 = tpu.memref_squeeze %dma_wait3A_43 : memref<1x16x100000xf32, #tpu.memory_space<vmem>> -> memref<16x100000xf32, #tpu.memory_space<vmem>>
      tpu.wait_dma2 semaphore(%dma_wait3A_37 : memref<!tpu.dma_semaphore, #tpu.memory_space<semaphore_mem>>) src(%dma_wait3A_44 : memref<16x100000xf32, #tpu.memory_space<vmem>>) dst(%dma_wait3A_40 : memref<16x100000xf32, #tpu.memory_space<any>>)
      %dma_wait3A_45 = arith.constant 1 : i32
      %dma_wait3A_46 = arith.constant 1 : i32
      %dma_wait3A_47 = tpu.memref_slice %arg6[%dma_wait3A_46] : memref<4x!tpu.dma_semaphore, #tpu.memory_space<semaphore_mem>> -> memref<1x!tpu.dma_semaphore, #tpu.memory_space<semaphore_mem>>
      %dma_wait3A_48 = tpu.memref_squeeze %dma_wait3A_47 : memref<1x!tpu.dma_semaphore, #tpu.memory_space<semaphore_mem>> -> memref<!tpu.dma_semaphore, #tpu.memory_space<semaphore_mem>>
      %dma_wait3A_49 = arith.constant 976 : i32
      %dma_wait3A_50 = arith.constant 0 : i32
      %dma_wait3A_51 = tpu.memref_slice %arg4[%dma_wait3A_49, %dma_wait3A_50] : memref<1024x100000xf32, #tpu.memory_space<any>> -> memref<16x100000xf32, #tpu.memory_space<any>>
      %dma_wait3A_52 = arith.constant 0 : i32
      %dma_wait3A_53 = arith.constant 0 : i32
      %dma_wait3A_54 = tpu.memref_slice %arg5[%dma_wait3A_45, %dma_wait3A_52, %dma_wait3A_53] : memref<4x16x100000xf32, #tpu.memory_space<vmem>> -> memref<1x16x100000xf32, #tpu.memory_space<vmem>>
      %dma_wait3A_55 = tpu.memref_squeeze %dma_wait3A_54 : memref<1x16x100000xf32, #tpu.memory_space<vmem>> -> memref<16x100000xf32, #tpu.memory_space<vmem>>
      tpu.wait_dma2 semaphore(%dma_wait3A_48 : memref<!tpu.dma_semaphore, #tpu.memory_space<semaphore_mem>>) src(%dma_wait3A_55 : memref<16x100000xf32, #tpu.memory_space<vmem>>) dst(%dma_wait3A_51 : memref<16x100000xf32, #tpu.memory_space<any>>)
      %dma_wait3A_56 = arith.constant 2 : i32
      %dma_wait3A_57 = arith.constant 2 : i32
      %dma_wait3A_58 = tpu.memref_slice %arg6[%dma_wait3A_57] : memref<4x!tpu.dma_semaphore, #tpu.memory_space<semaphore_mem>> -> memref<1x!tpu.dma_semaphore, #tpu.memory_space<semaphore_mem>>
      %dma_wait3A_59 = tpu.memref_squeeze %dma_wait3A_58 : memref<1x!tpu.dma_semaphore, #tpu.memory_space<semaphore_mem>> -> memref<!tpu.dma_semaphore, #tpu.memory_space<semaphore_mem>>
      %dma_wait3A_60 = arith.constant 992 : i32
      %dma_wait3A_61 = arith.constant 0 : i32
      %dma_wait3A_62 = tpu.memref_slice %arg4[%dma_wait3A_60, %dma_wait3A_61] : memref<1024x100000xf32, #tpu.memory_space<any>> -> memref<16x100000xf32, #tpu.memory_space<any>>
      %dma_wait3A_63 = arith.constant 0 : i32
      %dma_wait3A_64 = arith.constant 0 : i32
      %dma_wait3A_65 = tpu.memref_slice %arg5[%dma_wait3A_56, %dma_wait3A_63, %dma_wait3A_64] : memref<4x16x100000xf32, #tpu.memory_space<vmem>> -> memref<1x16x100000xf32, #tpu.memory_space<vmem>>
      %dma_wait3A_66 = tpu.memref_squeeze %dma_wait3A_65 : memref<1x16x100000xf32, #tpu.memory_space<vmem>> -> memref<16x100000xf32, #tpu.memory_space<vmem>>
      tpu.wait_dma2 semaphore(%dma_wait3A_59 : memref<!tpu.dma_semaphore, #tpu.memory_space<semaphore_mem>>) src(%dma_wait3A_66 : memref<16x100000xf32, #tpu.memory_space<vmem>>) dst(%dma_wait3A_62 : memref<16x100000xf32, #tpu.memory_space<any>>)
      %dma_wait3A_67 = arith.constant 3 : i32
      %dma_wait3A_68 = arith.constant 3 : i32
      %dma_wait3A_69 = tpu.memref_slice %arg6[%dma_wait3A_68] : memref<4x!tpu.dma_semaphore, #tpu.memory_space<semaphore_mem>> -> memref<1x!tpu.dma_semaphore, #tpu.memory_space<semaphore_mem>>
      %dma_wait3A_70 = tpu.memref_squeeze %dma_wait3A_69 : memref<1x!tpu.dma_semaphore, #tpu.memory_space<semaphore_mem>> -> memref<!tpu.dma_semaphore, #tpu.memory_space<semaphore_mem>>
      %dma_wait3A_71 = arith.constant 1008 : i32
      %dma_wait3A_72 = arith.constant 0 : i32
      %dma_wait3A_73 = tpu.memref_slice %arg4[%dma_wait3A_71, %dma_wait3A_72] : memref<1024x100000xf32, #tpu.memory_space<any>> -> memref<16x100000xf32, #tpu.memory_space<any>>
      %dma_wait3A_74 = arith.constant 0 : i32
      %dma_wait3A_75 = arith.constant 0 : i32
      %dma_wait3A_76 = tpu.memref_slice %arg5[%dma_wait3A_67, %dma_wait3A_74, %dma_wait3A_75] : memref<4x16x100000xf32, #tpu.memory_space<vmem>> -> memref<1x16x100000xf32, #tpu.memory_space<vmem>>
      %dma_wait3A_77 = tpu.memref_squeeze %dma_wait3A_76 : memref<1x16x100000xf32, #tpu.memory_space<vmem>> -> memref<16x100000xf32, #tpu.memory_space<vmem>>
      tpu.wait_dma2 semaphore(%dma_wait3A_70 : memref<!tpu.dma_semaphore, #tpu.memory_space<semaphore_mem>>) src(%dma_wait3A_77 : memref<16x100000xf32, #tpu.memory_space<vmem>>) dst(%dma_wait3A_73 : memref<16x100000xf32, #tpu.memory_space<any>>)
    } else {
    }
    return
  }
  func.func @transform_0(%arg0: i32) -> (i32, i32) {
    %c0_i32 = arith.constant 0 : i32
    %c0_i32_0 = arith.constant 0 : i32
    %c0_i32_1 = arith.constant 0 : i32
    return %c0_i32, %c0_i32_0 : i32, i32
  }
  func.func @transform_1(%arg0: i32) -> (i32, i32) {
    %c0_i32 = arith.constant 0 : i32
    %c0_i32_0 = arith.constant 0 : i32
    %c0_i32_1 = arith.constant 0 : i32
    return %c0_i32, %c0_i32_0 : i32, i32
  }
  func.func @transform_2(%arg0: i32) -> i32 {
    %c0_i32 = arith.constant 0 : i32
    %c0_i32_0 = arith.constant 0 : i32
    return %c0_i32 : i32
  }
}

</mosaic_0001>

<sc_bundles>
// kernel: kernel.4.cloned.1.call-start
scs
__scs_entry_jumppad:
0x0: {  	(pc) =	sbr.rel $0x88, $3  }
0x1: {  	(tag) =	ssettag $0x0;
	lr =	simm.s32 $0x1  }
0x2: {  	[smem:$0x3F9D] =	sst lr;
	_ =	strace $0xD0000000  }
0x3: {  	_ = 	snop  }
0x4: {  	_ = 	snop  }
0x5: {  	_ = 	snop  }
0x6: {  	_ = 	snop  }
0x7: {  	_ = 	snop  }
__scs_overlays_trampoline_lowered:
0x8: {  	[smem:$0x3FAC] =	sst s0  }
0x9: {  	[smem:$0x3FAD] =	sst s1  }
0xa: {  	[smem:$0x3FAE] =	sst s2  }
0xb: {  	[smem:$0x3FAF] =	sst s3  }
0xc: {  	[smem:$0x3FB0] =	sst s4  }
0xd: {  	[smem:$0x3FB1] =	sst s5  }
0xe: {  	[smem:$0x3FB2] =	sst s6  }
0xf: {  	[smem:$0x3FB3] =	sst s7  }
0x10: {  	[smem:$0x3FB4] =	sst s8  }
0x11: {  	[smem:$0x3FB5] =	sst s9;
	s0 =	simm.s32 @!p0 $0x0  }
0x12: {  	s1 =	sld [smem:$0x3F9B];
	s0 =	simm.s32 @p0 $0x1  }
0x13: {  	[smem:$0x3FB6] =	sst s0;
	s0 =	simm.s32 @!p1 $0x0  }
0x14: {  	s2 =	sld [smem:$0x3F9A];
	s0 =	simm.s32 @p1 $0x1  }
0x15: {  	[smem:$0x3FB7] =	sst s0;
	s0 =	simm.s32 @!p2 $0x0  }
0x16: {  	s3 =	sld [smem:$0x3FDB];
	s0 =	simm.s32 @p2 $0x1  }
0x17: {  	s4 =	simm.s32 $0x1BF5;
	[smem:$0x3FB9] =	sst s0  }
0x18: {  	s0 =	sld [smem:$0x3F9C];
	_ =	swait.ge [sflag:s4], $0x0  }
0x19: {  	s7 =	sld [smem:$0x3F9D]  }
0x1a: {  	s8 =	sadd.s32 $0xFFFFE003, lr  }
0x1b: {  	s9 =	sadd.s32 $0xFFFFFEF7, lr;
	s5 =	simm.s32 $0xFFFFFFFF;
	p2 =	slt.u32 s8, $0xFFFFF086  }
0x1c: {  	p1 =	slt.u32 s9, $0xF7A;
	s5 =	simm.s32 @!p2 $0x0  }
0x1d: {  	s5 =	simm.s32 @p1 $0x1;
	p0 =	seq.s32 s7, s2  }
0x1e: {  	s7 =	smul.u32 @!p0 $0xF7A, s2;
	p2 =	seq.s32 @!p0 s5, $0x0  }
0x1f: {  	s9 =	smul.u32 $0xF7A, s1;
	s8 =	simm.s32 @!p0 $0x1BF5;
	p2 =	por !p2, p0  }
0x20: {  	[sflag:s8] =	ssyncset.s32 @!p0 $0xFFFFF086;
	s6 =	sadd.s32 @!p0 s3, s7;
	s7 =	simm.s32 @!p0 $0x108  }
0x21: {  	s3 =	sadd.s32 s3, s9;
	s6 =	sadd.s32 @!p0 $0x88, s6;
	s7 =	simm.s32 @p2 $0x1082  }
0x22: {  	[simem:s7], [sflag:s8] =	dma.local @!p0 [hbm:s6], $0xF7A  }
0x23: {  	s9 =	sor.u32 $0xD0000000, s2;
	s6 =	simm.s32 $0x108;
	_ =	swait.ge @!p0 [sflag:s8], $0x0  }
0x24: {  	s3 =	sadd.s32 $0x88, s3;
	s6 =	simm.s32 @!p1 $0x1082;
	[sflag:s4] =	ssyncset.s32 $0xFFFFF086  }
0x25: {  	[simem:s6], [sflag:s4] =	dma.local [hbm:s3], $0xF7A  }
0x26: {  	[smem:$0x3F9D] =	sst s1;
	(tag) =	ssettag s2;
	_ =	strace s9  }
0x27: {  	s1 =	sld [smem:$0x3FAD]  }
0x28: {  	s2 =	sld [smem:$0x3FAE]  }
0x29: {  	s4 =	sld [smem:$0x3FB0]  }
0x2a: {  	p0 =	seq.s32 s5, $0x0;
	s5 =	sld [smem:$0x3FB1]  }
0x2b: {  	s6 =	sld [smem:$0x3FB2]  }
0x2c: {  	s7 =	sld [smem:$0x3FB3]  }
0x2d: {  	s3 =	simm.s32 $0x108;
	s8 =	sld [smem:$0x3FB4]  }
0x2e: {  	s3 =	simm.s32 @!p0 $0x1082;
	s9 =	sld [smem:$0x3FB5]  }
0x2f: {  	lr =	sadd.s32 s0, s3;
	s0 =	sld [smem:$0x3FAC]  }
0x30: {  	s3 =	sld [smem:$0x3FAF]  }
0x31: {  	[smem:$0x3FB8] =	sst s10  }
0x32: {  	s10 =	sld [smem:$0x3FB6];
	_ =	sdelay $0x3  }
0x33: {  	p0 =	seq.s32 s10, $0x1;
	s10 =	sld [smem:$0x3FB8];
	_ =	sdelay $0x3  }
0x34: {  	[smem:$0x3FB8] =	sst s10  }
0x35: {  	s10 =	sld [smem:$0x3FB7];
	_ =	sdelay $0x3  }
0x36: {  	p1 =	seq.s32 s10, $0x1;
	s10 =	sld [smem:$0x3FB8];
	_ =	sdelay $0x3  }
0x37: {  	[smem:$0x3FB8] =	sst s10  }
0x38: {  	s10 =	sld [smem:$0x3FB9]  }
0x39: {  	_ = 	snop;
	(pc) =	sbr.ind lr, $3  }
0x3a: {  	_ = 	snop  }
0x3b: {  	_ = 	snop  }
0x3c: {  	p2 =	seq.s32 s10, $0x1;
	s10 =	sld [smem:$0x3FB8]  }
0x3d: {  	_ =	shalt  }
0x3e: {  	_ =	shalt  }
0x3f: {  	_ =	shalt  }
0x40: {  	_ =	shalt  }
0x41: {  	_ =	shalt  }
0x42: {  	_ =	shalt  }
0x43: {  	_ =	shalt  }
0x44: {  	_ =	shalt  }
0x45: {  	_ =	shalt  }
0x46: {  	_ =	shalt  }
0x47: {  	_ =	shalt  }
0x48: {  	_ =	shalt  }
0x49: {  	_ =	shalt  }
0x4a: {  	_ =	shalt  }
0x4b: {  	_ =	shalt  }
0x4c: {  	_ =	shalt  }
0x4d: {  	_ =	shalt  }
0x4e: {  	_ =	shalt  }
0x4f: {  	_ =	shalt  }
0x50: {  	_ =	shalt  }
0x51: {  	_ =	shalt  }
0x52: {  	_ =	shalt  }
0x53: {  	_ =	shalt  }
0x54: {  	_ =	shalt  }
0x55: {  	_ =	shalt  }
0x56: {  	_ =	shalt  }
0x57: {  	_ =	shalt  }
0x58: {  	_ =	shalt  }
0x59: {  	_ =	shalt  }
0x5a: {  	_ =	shalt  }
0x5b: {  	_ =	shalt  }
0x5c: {  	_ =	shalt  }
0x5d: {  	_ =	shalt  }
0x5e: {  	_ =	shalt  }
0x5f: {  	_ =	shalt  }
0x60: {  	_ =	shalt  }
0x61: {  	_ =	shalt  }
0x62: {  	_ =	shalt  }
0x63: {  	_ =	shalt  }
0x64: {  	_ =	shalt  }
0x65: {  	_ =	shalt  }
0x66: {  	_ =	shalt  }
0x67: {  	_ =	shalt  }
0x68: {  	_ =	shalt  }
0x69: {  	_ =	shalt  }
0x6a: {  	_ =	shalt  }
0x6b: {  	_ =	shalt  }
0x6c: {  	_ =	shalt  }
0x6d: {  	_ =	shalt  }
0x6e: {  	_ =	shalt  }
0x6f: {  	_ =	shalt  }
0x70: {  	_ =	shalt  }
0x71: {  	_ =	shalt  }
0x72: {  	_ =	shalt  }
0x73: {  	_ =	shalt  }
0x74: {  	_ =	shalt  }
0x75: {  	_ =	shalt  }
0x76: {  	_ =	shalt  }
0x77: {  	_ =	shalt  }
0x78: {  	_ =	shalt  }
0x79: {  	_ =	shalt  }
0x7a: {  	_ =	shalt  }
0x7b: {  	_ =	shalt  }
0x7c: {  	_ =	shalt  }
0x7d: {  	_ =	shalt  }
0x7e: {  	_ =	shalt  }
0x7f: {  	_ =	shalt  }
0x80: {  	_ =	shalt  }
0x81: {  	_ =	shalt  }
0x82: {  	_ =	shalt  }
0x83: {  	_ =	shalt  }
0x84: {  	_ =	shalt  }
0x85: {  	_ =	shalt  }
0x86: {  	_ =	shalt  }
0x87: {  	_ =	shalt  }
.Lfunc_end0:
.L_simem_size_0:
called_computation_lowered:
.L_overlay_start_0:
0x88: {  	s2 =	sld [smem:$0x3FD9]  }
0x89: {  	s3 =	sld [smem:$0x3FFE];
	_ =	sdelay $0x1  }
0x8a: {  	s1 =	srdreg.scid  }
0x8b: {  	s0 =	sand.u32 $0x1, s1  }
0x8c: {  	s16 =	sshll.u32 s0, $0xA;
	s2 =	sadd.s32 s3, s2  }
0x8d: {  	s2 =	sadd.s32 s2, s16  }
0x8e: {  	[smem:$0x3FC4] =	sst s2  }
0x8f: {  	_ = 	snop  }
0x90: {  	(tm) =	ssettm $0x1  }
0x91: {  	s17 =	sld [smem:$0x3FFB];
	_ =	sdelay $0x3  }
0x92: {  	_ =	strace s17  }
0x93: {  	s2 =	sld [smem:$0x3FFC];
	_ =	sdelay $0x3  }
0x94: {  	_ =	strace s2  }
0x95: {  	s2 =	sld [smem:$0x3FFD];
	_ =	sdelay $0x3  }
0x96: {  	_ =	strace s2  }
0x97: {  	_ =	strace $0x8FFFFFFF  }
0x98: {  	s18 =	sld [smem:$0x3FDB];
	_ =	sdelay $0x1  }
0x99: {  	s19 =	simm.s32 $_scs_section_size  }
0x9a: {  	s4 =	simm.s32 $_size__tile_overlayer_lowered;
	s5 =	simm.s32 $_tile_overlayer_lowered  }
0x9b: {  	s22 =	simm.s32 $0x1BFF;
	s21 =	sshll.u32 s5, $0x1;
	s2 =	sadd.s32 s19, s18  }
0x9c: {  	s6 =	simm.s32 $0x0;
	s20 =	sshll.u32 s4, $0x1;
	s4 =	sadd.s32 s21, s2  }
0x9d: {  	[timem:s6], [sflag:s22] =	dma.local [hbm:s4], s20  }
0x9e: {  	_ =	swait.ge [sflag:s22], s20  }
0x9f: {  	s3 =	ssub.s32 $0x0, s20;
	[sflag:s22] =	ssyncset.done $0x0  }
0xa0: {  	[sflag:s22] =	ssyncadd.s32 s3;
	_ =	sdelay $0x1  }
0xa1: {  	s23 =	simm.s32 $0x1B8B  }
0xa2: {  	_ =	swait.ge [sflag:s23], $0x1  }
0xa3: {  	[sflag:s23] =	ssyncset.done $0x0  }
0xa4: {  	s25 =	simm.s32 $0x1B8E;
	s24 =	sld [smem:$0x3FFE];
	[sflag:s23] =	ssyncadd.s32 $0xFFFFFFFF  }
0xa5: {  	s26 =	simm.s32 $execute0_lowered;
	[smem:$0x3FD2] =	sst s25  }
0xa6: {  	s4 =	sshll.u32 s26, $0x1;
	_ =	strace $0x80000046;
	[dreg:$0x1] =	wrdreg $0xFFFFFFFF  }
0xa7: {  	s28 =	simm.s32 $_size_execute0_lowered;
	s2 =	sadd.s32 s2, s4;
	[dreg:$0x0] =	wrdreg $0x0  }
0xa8: {  	s4 =	sshll.u32 s28, $0x1;
	[dreg:$0x2] =	wrdreg s2  }
0xa9: {  	[dreg:$0x3] =	wrdreg s4  }
0xaa: {  	[dreg:$0x4] =	wrdreg $0xC0  }
0xab: {  	_ =	task [dreg:s6], $0x5FFFF  }
0xac: {  	[dreg:$0x1] =	wrdreg $0xFFFFFFFF  }
0xad: {  	[dreg:$0x0] =	wrdreg $0x60  }
0xae: {  	[dreg:$0x2] =	wrdreg s24  }
0xaf: {  	[dreg:$0x3] =	wrdreg $0x9  }
0xb0: {  	_ =	task.clear_ibuf [dreg:s6], $0x4FFFF;
	_ =	strace $0x90000046  }
0xb1: {  	s29 =	simm.s32 $0x9;
	_ =	strace $0x80000048  }
0xb2: {  	_ =	swait.ge [sflag:s29], $0x1  }
0xb3: {  	[sflag:s29] =	ssyncadd.s32 $0xFFFFFFFF  }
0xb4: {  	_ =	strace $0x90000048  }
0xb5: {  	_ =	sfence  }
0xb6: {  	s30 =	sld [smem:$0x0];
	_ =	sdelay $0x2  }
0xb7: {  	s31 =	sshll.u32 s1, $0xD;
	s1 =	sshrl.u32 s1, $0x2  }
0xb8: {  	s3 =	sand.u32 $0x4000, s31;
	s1 =	sadd.s32 s1, s30  }
0xb9: {  	s0 =	sor.u32 s3, s0;
	s1 =	sshll.u32 s1, $0x11  }
0xba: {  	s0 =	sor.u32 s1, s0  }
0xbb: {  	s0 =	sadd.s32 $0x8F2B, s0  }
0xbc: {  	[sflag:s0] =	ssyncadd.remote.s32 $0x1  }
0xbd: {  	_ =	sfence.sel $0xFFFF  }
0xbe: {  	[dreg:$0x0] =	wrdreg $0xFFFFFFFF;
	(pc) =	sbr.abs _section_cstart, $3  }
0xbf: {  	[dreg:$0x1] =	wrdreg $0xFFFFFFFF  }
0xc0: {  	_ =	task.clear_ibuf [dreg:s6], $0x2FFFF;
	_ =	strace $0x9FFFFFFF  }
0xc1: {  	(tm) =	ssettm $0x7FFFFFFF  }
tec
execute0_lowered:
.L_overlay_start_1:
0x0: {  	(tag) =	ssettag $0x1  }
0x1: {  	s1 =	srdreg.scid  }
0x2: {  	s0 =	stileid.u32;
	s4 =	rddreg [dreg:$0x0];
	s2 =	simm.s32 $0x0  }
0x3: {  	s9 =	simm.s32 $0x280;
	s10 =	simm.s32 $0x1280;
	s11 =	simm.s32 $0x100  }
0x4: {  	s12 =	simm.s32 $0x2280;
	s13 =	simm.s32 $0x180;
	s14 =	simm.s32 $0x3280  }
0x5: {  	s15 =	simm.s32 $0x200;
	s16 =	simm.s32 $0x4280;
	s17 =	simm.s32 $0x1  }
0x6: {  	s18 =	simm.s32 $0x5280;
	s5 =	sand.u32 $0x1, s1;
	s1 =	rddreg [dreg:$0x1]  }
0x7: {  	s19 =	simm.s32 $0x0;
	s3 =	sshll.u32 s0, $0x1;
	[smem:$0x7FF] =	sst s2  }
0x8: {  	s6 =	sor.u32 s5, s3;
	_ =	strace $0x80000047;
	s5 =	ssub.s32 $0x2, s5  }
0x9: {  	s7 =	smul.u32 $0x50, s6;
	s6 =	sshll.u32 s6, $0x7;
	s8 =	sshrl.u32 s5, $0x1  }
0xa: {  	s3 =	sadd.s32 $0xE00, s4;
	s6 =	sadd.s32 s6, s4;
	s8 =	ssub.s32 s5, s8  }
0xb: {  	s7 =	sadd.s32 s7, s4;
	s5 =	sadd.s32 $0x62A00, s6;
	s6 =	smax.u32 s8, $0x1  }
0xc: {  	s8 =	simm.s32 $0x80;
	s4 =	sadd.s32 $0x400, s7;
	s7 =	simm.s32 $0x2  }
.LBB2_1:
0xd: {  	[tilespmem:s2], [sflag:$0x2] =	stream.linear.gather [hbm4b:s4+s2], $0x280, $0x38;
	[tilespmem:$0x5680] =	vst v63  }
0xe: {  	_ =	swait.ge [sflag:s7], $0x280  }
0xf: {  	[sflag:s7] =	ssyncset.done $0x0  }
0x10: {  	[sflag:s7] =	ssyncadd.s32 $0xFFFFFD80  }
0x11: {  	[tilespmem:s9], [sflag:$0x1] =	stream.indirect.gather [hbm4b:s3+s8], $0x20, s2, s8, $0xb8;
	[tilespmem:$0x5680] =	vst v63  }
0x12: {  	_ = 	snop  }
0x13: {  	[tilespmem:s10], [sflag:$0x1] =	stream.indirect.gather [hbm4b:s3+s8], $0x20, s8, s8, $0xb8;
	[tilespmem:$0x5680] =	vst v63  }
0x14: {  	_ = 	snop  }
0x15: {  	[tilespmem:s12], [sflag:$0x1] =	stream.indirect.gather [hbm4b:s3+s8], $0x20, s11, s8, $0xb8;
	[tilespmem:$0x5680] =	vst v63  }
0x16: {  	_ = 	snop  }
0x17: {  	[tilespmem:s14], [sflag:$0x1] =	stream.indirect.gather [hbm4b:s3+s8], $0x20, s13, s8, $0xb8;
	[tilespmem:$0x5680] =	vst v63  }
0x18: {  	_ = 	snop  }
0x19: {  	[tilespmem:s16], [sflag:$0x1] =	stream.indirect.gather [hbm4b:s3+s8], $0x20, s15, s8, $0xb8;
	[tilespmem:$0x5680] =	vst v63  }
0x1a: {  	_ =	swait.ge [sflag:s17], $0x1000  }
0x1b: {  	[sflag:s17] =	ssyncset.done $0x0  }
0x1c: {  	[sflag:s17] =	ssyncadd.s32 $0xFFFFF000  }
0x1d: {  	_ =	swait.ge [sflag:s17], $0x1000  }
0x1e: {  	[sflag:s17] =	ssyncset.done $0x0  }
0x1f: {  	[sflag:s17] =	ssyncadd.s32 $0xFFFFF000  }
0x20: {  	_ =	swait.ge [sflag:s17], $0x1000  }
0x21: {  	[sflag:s17] =	ssyncset.done $0x0  }
0x22: {  	[sflag:s17] =	ssyncadd.s32 $0xFFFFF000  }
0x23: {  	_ =	swait.ge [sflag:s17], $0x1000  }
0x24: {  	[sflag:s17] =	ssyncset.done $0x0  }
0x25: {  	[sflag:s17] =	ssyncadd.s32 $0xFFFFF000  }
0x26: {  	_ =	swait.ge [sflag:s17], $0x1000  }
0x27: {  	[sflag:s17] =	ssyncset.done $0x0  }
0x28: {  	s20 =	simm.s32 $0x3C0;
	[sflag:s17] =	ssyncadd.s32 $0xFFFFF000  }
0x29: {  	v0 =	vld [tilespmem:s20+$0xFFFFFEF0]  }
0x2a: {  	v1 =	vld [tilespmem:s20+$0xFFFFFEC0]  }
0x2b: {  	v2 =	vld [tilespmem:s20+$0xFFFFFEE0]  }
0x2c: {  	v3 =	vld [tilespmem:s20+$0xFFFFFED0]  }
0x2d: {  	v4 =	vld [tilespmem:s20+$0xFFFFFF00]  }
0x2e: {  	v5 =	vld [tilespmem:s20+$0xFFFFFF10]  }
0x2f: {  	v6 =	vld [tilespmem:s20+$0xFFFFFF20]  }
0x30: {  	v7 =	vld [tilespmem:s20+$0xFFFFFF40];
	v1 =	vadd.f32 v2, v1  }
0x31: {  	v2 =	vld [tilespmem:s20+$0xFFFFFF30]  }
0x32: {  	v44 =	vld [tilespmem:s20+$0xFFFFFF60];
	v0 =	vadd.f32 v0, v3;
	v1 =	vadd.f32 v4, v1  }
0x33: {  	v3 =	vld [tilespmem:s20+$0xFFFFFF50]  }
0x34: {  	v45 =	vld [tilespmem:s20+$0xFFFFFF70];
	v0 =	vadd.f32 v5, v0;
	v1 =	vadd.f32 v6, v1  }
0x35: {  	v46 =	vld [tilespmem:s20+$0xFFFFFF80]  }
0x36: {  	v47 =	vld [tilespmem:s20+$0xFFFFFFA0];
	v0 =	vadd.f32 v2, v0;
	v1 =	vadd.f32 v7, v1  }
0x37: {  	v2 =	vld [tilespmem:s20+$0xFFFFFF90]  }
0x38: {  	v48 =	vld [tilespmem:s20+$0xFFFFFFC0];
	v0 =	vadd.f32 v3, v0;
	v1 =	vadd.f32 v44, v1  }
0x39: {  	v3 =	vld [tilespmem:s20+$0xFFFFFFB0]  }
0x3a: {  	v49 =	vld [tilespmem:s20+$0xFFFFFFD0];
	v0 =	vadd.f32 v45, v0;
	v1 =	vadd.f32 v46, v1  }
0x3b: {  	v50 =	vld [tilespmem:s20+$0xFFFFFFE0]  }
0x3c: {  	v51 =	vld [tilespmem:s20+$0x0];
	v0 =	vadd.f32 v2, v0;
	v1 =	vadd.f32 v47, v1  }
0x3d: {  	v2 =	vld [tilespmem:s20+$0xFFFFFFF0]  }
0x3e: {  	v52 =	vld [tilespmem:s20+$0x20];
	v0 =	vadd.f32 v3, v0;
	v1 =	vadd.f32 v48, v1  }
0x3f: {  	v3 =	vld [tilespmem:s20+$0x10]  }
0x40: {  	v53 =	vld [tilespmem:s20+$0x30];
	v0 =	vadd.f32 v49, v0;
	v1 =	vadd.f32 v50, v1  }
0x41: {  	v54 =	vld [tilespmem:s20+$0x40]  }
0x42: {  	v55 =	vld [tilespmem:s20+$0x60];
	v0 =	vadd.f32 v2, v0;
	v1 =	vadd.f32 v51, v1  }
0x43: {  	v2 =	vld [tilespmem:s20+$0x50]  }
0x44: {  	v56 =	vld [tilespmem:s20+$0x80];
	v0 =	vadd.f32 v3, v0;
	v1 =	vadd.f32 v52, v1  }
0x45: {  	v3 =	vld [tilespmem:s20+$0x70]  }
0x46: {  	v57 =	vld [tilespmem:s20+$0x90];
	v0 =	vadd.f32 v53, v0;
	v1 =	vadd.f32 v54, v1  }
0x47: {  	v58 =	vld [tilespmem:s20+$0xA0]  }
0x48: {  	v59 =	vld [tilespmem:s20+$0xC0];
	v0 =	vadd.f32 v2, v0;
	v1 =	vadd.f32 v55, v1  }
0x49: {  	v2 =	vld [tilespmem:s20+$0xB0]  }
0x4a: {  	v60 =	vld [tilespmem:s20+$0xE0];
	v0 =	vadd.f32 v3, v0;
	v1 =	vadd.f32 v56, v1  }
0x4b: {  	v3 =	vld [tilespmem:s20+$0xD0]  }
0x4c: {  	v61 =	vld [tilespmem:s20+$0xF0];
	v0 =	vadd.f32 v57, v0;
	v1 =	vadd.f32 v58, v1  }
0x4d: {  	v62 =	vld [tilespmem:s20+$0x100]  }
0x4e: {  	v63 =	vld [tilespmem:s20+$0x120];
	v0 =	vadd.f32 v2, v0;
	v1 =	vadd.f32 v59, v1  }
0x4f: {  	v2 =	vld [tilespmem:s20+$0x110]  }
0x50: {  	v0 =	vadd.f32 v3, v0;
	v1 =	vadd.f32 v60, v1  }
0x51: {  	v3 =	vld [tilespmem:s20+$0x130]  }
0x52: {  	v0 =	vadd.f32 v61, v0;
	v1 =	vadd.f32 v62, v1;
	_ =	sdelay $0x1  }
0x53: {  	v0 =	vadd.f32 v2, v0;
	v1 =	vadd.f32 v63, v1;
	_ =	sdelay $0x1  }
0x54: {  	v0 =	vadd.f32 v3, v0;
	v1 =	vmul.f32 $5.000000070e-02, v1  }
0x55: {  	s22 =	simm.s32 $0x0  }
0x56: {  	s21 =	simm.s32 $0x80;
	v0 =	vmul.f32 $5.000000070e-02, v0;
	[tilespmem:s22+$0x5280] =	vst v1  }
.LBB2_2:
0x57: {  	p0 =	sne.s32 s21, $0xF80  }
0x58: {  	[tilespmem:s22+$0x5290] =	vst v0;
	s20 =	sadd.s32 $0x280, s20;
	s22 =	smov.u32 s21;
	s21 =	sadd.s32 $0x80, s21  }
0x59: {  	v0 =	vld [tilespmem:s20+$0xFFFFFEF0]  }
0x5a: {  	v1 =	vld [tilespmem:s20+$0xFFFFFEC0]  }
0x5b: {  	v2 =	vld [tilespmem:s20+$0xFFFFFEE0]  }
0x5c: {  	v3 =	vld [tilespmem:s20+$0xFFFFFED0]  }
0x5d: {  	v4 =	vld [tilespmem:s20+$0xFFFFFF00]  }
0x5e: {  	v5 =	vld [tilespmem:s20+$0xFFFFFF10]  }
0x5f: {  	v6 =	vld [tilespmem:s20+$0xFFFFFF20]  }
0x60: {  	v1 =	vadd.f32 v2, v1;
	v2 =	vld [tilespmem:s20+$0xFFFFFF30]  }
0x61: {  	v0 =	vadd.f32 v0, v3;
	v3 =	vld [tilespmem:s20+$0xFFFFFF40]  }
0x62: {  	v1 =	vadd.f32 v4, v1;
	v4 =	vld [tilespmem:s20+$0xFFFFFF50]  }
0x63: {  	v0 =	vadd.f32 v5, v0;
	v5 =	vld [tilespmem:s20+$0xFFFFFF60]  }
0x64: {  	v1 =	vadd.f32 v6, v1;
	v6 =	vld [tilespmem:s20+$0xFFFFFF70]  }
0x65: {  	v0 =	vadd.f32 v2, v0;
	v2 =	vld [tilespmem:s20+$0xFFFFFF80]  }
0x66: {  	v1 =	vadd.f32 v3, v1;
	v3 =	vld [tilespmem:s20+$0xFFFFFF90]  }
0x67: {  	v0 =	vadd.f32 v4, v0;
	v4 =	vld [tilespmem:s20+$0xFFFFFFA0]  }
0x68: {  	v1 =	vadd.f32 v5, v1;
	v5 =	vld [tilespmem:s20+$0xFFFFFFB0]  }
0x69: {  	v0 =	vadd.f32 v6, v0;
	v6 =	vld [tilespmem:s20+$0xFFFFFFC0]  }
0x6a: {  	v1 =	vadd.f32 v2, v1;
	v2 =	vld [tilespmem:s20+$0xFFFFFFD0]  }
0x6b: {  	v0 =	vadd.f32 v3, v0;
	v3 =	vld [tilespmem:s20+$0xFFFFFFE0]  }
0x6c: {  	v1 =	vadd.f32 v4, v1;
	v4 =	vld [tilespmem:s20+$0xFFFFFFF0]  }
0x6d: {  	v0 =	vadd.f32 v5, v0;
	v5 =	vld [tilespmem:s20+$0x0]  }
0x6e: {  	v1 =	vadd.f32 v6, v1;
	v6 =	vld [tilespmem:s20+$0x10]  }
0x6f: {  	v0 =	vadd.f32 v2, v0;
	v2 =	vld [tilespmem:s20+$0x20]  }
0x70: {  	v1 =	vadd.f32 v3, v1;
	v3 =	vld [tilespmem:s20+$0x30]  }
0x71: {  	v0 =	vadd.f32 v4, v0;
	v4 =	vld [tilespmem:s20+$0x40]  }
0x72: {  	v1 =	vadd.f32 v5, v1;
	v5 =	vld [tilespmem:s20+$0x50]  }
0x73: {  	v0 =	vadd.f32 v6, v0;
	v6 =	vld [tilespmem:s20+$0x60]  }
0x74: {  	v1 =	vadd.f32 v2, v1;
	v2 =	vld [tilespmem:s20+$0x70]  }
0x75: {  	v0 =	vadd.f32 v3, v0;
	v3 =	vld [tilespmem:s20+$0x80]  }
0x76: {  	v1 =	vadd.f32 v4, v1;
	v4 =	vld [tilespmem:s20+$0x90]  }
0x77: {  	v0 =	vadd.f32 v5, v0;
	v5 =	vld [tilespmem:s20+$0xA0]  }
0x78: {  	v1 =	vadd.f32 v6, v1;
	v6 =	vld [tilespmem:s20+$0xB0]  }
0x79: {  	v0 =	vadd.f32 v2, v0;
	v2 =	vld [tilespmem:s20+$0xC0]  }
0x7a: {  	v1 =	vadd.f32 v3, v1;
	v3 =	vld [tilespmem:s20+$0xD0]  }
0x7b: {  	v0 =	vadd.f32 v4, v0;
	v4 =	vld [tilespmem:s20+$0xE0]  }
0x7c: {  	v1 =	vadd.f32 v5, v1;
	v5 =	vld [tilespmem:s20+$0xF0]  }
0x7d: {  	v0 =	vadd.f32 v6, v0;
	v6 =	vld [tilespmem:s20+$0x100]  }
0x7e: {  	v1 =	vadd.f32 v2, v1;
	v2 =	vld [tilespmem:s20+$0x110]  }
0x7f: {  	v0 =	vadd.f32 v3, v0;
	v3 =	vld [tilespmem:s20+$0x120]  }
0x80: {  	v1 =	vadd.f32 v4, v1;
	v4 =	vld [tilespmem:s20+$0x130]  }
0x81: {  	v0 =	vadd.f32 v5, v0  }
0x82: {  	v1 =	vadd.f32 v6, v1  }
0x83: {  	v0 =	vadd.f32 v2, v0  }
.Ltmp0:
0x84: {  	v1 =	vadd.f32 v3, v1;
	(pc) =	sbr.rel @p0 .LBB2_2-.Ltmp0, $4  }
0x85: {  	v0 =	vadd.f32 v4, v0  }
0x86: {  	v1 =	vmul.f32 $5.000000070e-02, v1  }
0x87: {  	s22 =	sshra.s32 s22, $0x2;
	v0 =	vmul.f32 $5.000000070e-02, v0  }
0x88: {  	[tilespmem:s22+$0x5280] =	vst v1  }
0x89: {  	s19 =	sadd.s32 $0x1, s19  }
0x8a: {  	p0 =	sne.s32 s19, s6  }
.Ltmp1:
0x8b: {  	[tilespmem:s22+$0x5290] =	vst v0;
	(pc) =	sbr.rel @p0 .LBB2_1-.Ltmp1, $4  }
0x8c: {  	[hbm4b:s5+s2] =	stream.linear.scatter [tilespmem:s18], [sflag:$0x2], $0x400, $0x38;
	[tilespmem:$0x5680] =	vst v63  }
0x8d: {  	_ =	swait.ge [sflag:s7], $0x400  }
0x8e: {  	[sflag:s7] =	ssyncset.done $0x0  }
0x8f: {  	[sflag:s7] =	ssyncadd.s32 $0xFFFFFC00  }
0x90: {  	_ =	sfence.sel $0x180000  }
0x91: {  	[bflag:$0x0] =	sbarrier.arrive $0xFFFF  }
0x92: {  	p0 =	sne.s32 s0, $0x0;
	_ =	strace $0x90000047  }
0x93: {  	s0 =	sadd.s32 @!p0 $0x100000, s1;
	[bflag:$0x2] =	sbarrier.arrive $0xFFFF  }
0x94: {  	[sflag:s0] =	ssyncadd.tile.s32 @!p0 $0x1;
	_ =	shalt  }
.Lfunc_end2:
_tile_overlayer_lowered:
.L_overlay_start_2:
0x95: {  	(tag) =	ssettag $0x2  }
0x96: {  	s0 =	rddreg [dreg:$0x0];
	s2 =	stileid.u32  }
0x97: {  	s1 =	rddreg [dreg:$0x1];
	p0 =	sne.s32 s2, $0x0  }
0x98: {  	s3 =	rddreg [dreg:$0x2];
	[bflag:$0x3] =	sbarrier.arrive $0xFFFF;
	s2 =	simm.s32 @!p0 $0x1C02  }
0x99: {  	[timem:s3], [sflag:s2] =	dma.local @!p0 [hbm:s0], s1  }
0x9a: {  	s0 =	simm.s32 @!p0 $0x2  }
0x9b: {  	_ =	swait.ge @!p0 [sflag:s0], s1  }
0x9c: {  	s1 =	ssub.s32 @!p0 $0x0, s1;
	[sflag:s0] =	ssyncset.done @!p0 $0x0  }
0x9d: {  	[sflag:s0] =	ssyncadd.s32 @!p0 s1  }
0x9e: {  	[bflag:$0x3] =	sbarrier.arrive $0xFFFF  }
0x9f: {  	_ =	shalt  }

</sc_bundles>
